<compile_context>
chip_gen: v7x
topology: tpu7x:2x2x1
jax: 0.10.2.dev20260603
libtpu: 0.0.44.dev20260713+nightly
codegen_flags: <defaults>
</compile_context>

<pallas_src>
import functools

import jax
import jax.numpy as jnp
from jax import lax
from jax.experimental import pallas as pl
from jax.experimental.pallas import tpu as pltpu
from jax.experimental.pallas import tpu_sc as plsc

_N_TOKENS = 8192
_DIM = 32
_K = 8192
_NQ = 4
_TB = 512
_PACK = 128 // _DIM
_BLKROWS = _K * _DIM // 128

_info = plsc.get_sparse_core_info()
_NC = _info.num_cores
_NS = _info.num_subcores
_NW = _NC * _NS
_B_PER_W = _N_TOKENS // _NW
_CHUNK = 128
_NCHUNK = _B_PER_W // _CHUNK


def _sc_gather(blk_idx_flat, table):
    mesh = plsc.VectorSubcoreMesh(core_axis_name="c", subcore_axis_name="s")

    @functools.partial(
        pl.kernel, mesh=mesh,
        out_type=jax.ShapeDtypeStruct((_NQ * _N_TOKENS, 128), jnp.float32),
        scratch_types=[
            pltpu.VMEM((_B_PER_W,), jnp.int32),
            pltpu.VMEM((_B_PER_W,), jnp.int32),
            pltpu.VMEM((_B_PER_W, 128), jnp.float32),
            pltpu.VMEM((_B_PER_W, 128), jnp.float32),
            pltpu.SemaphoreType.DMA,
            pltpu.SemaphoreType.DMA,
            pltpu.SemaphoreType.DMA,
            pltpu.SemaphoreType.DMA,
        ],
    )
    def k(idx_hbm, tbl, out_hbm, i0, i1, r0, r1, sg0, sg1, so0, so1):
        wid = lax.axis_index("s") * _NC + lax.axis_index("c")
        base = wid * _B_PER_W
        offs = [l * _N_TOKENS + base for l in range(_NQ)]
        pltpu.sync_copy(idx_hbm.at[pl.ds(offs[0], _B_PER_W)], i0)
        g0 = pltpu.async_copy(tbl.at[i0], r0, sg0)
        pltpu.sync_copy(idx_hbm.at[pl.ds(offs[1], _B_PER_W)], i1)
        g1 = pltpu.async_copy(tbl.at[i1], r1, sg1)
        g0.wait()
        o0 = pltpu.async_copy(r0, out_hbm.at[pl.ds(offs[0], _B_PER_W)], so0)
        g1.wait()
        o1 = pltpu.async_copy(r1, out_hbm.at[pl.ds(offs[1], _B_PER_W)], so1)
        o0.wait()
        pltpu.sync_copy(idx_hbm.at[pl.ds(offs[2], _B_PER_W)], i0)
        g2 = pltpu.async_copy(tbl.at[i0], r0, sg0)
        o1.wait()
        pltpu.sync_copy(idx_hbm.at[pl.ds(offs[3], _B_PER_W)], i1)
        g3 = pltpu.async_copy(tbl.at[i1], r1, sg1)
        g2.wait()
        o2 = pltpu.async_copy(r0, out_hbm.at[pl.ds(offs[2], _B_PER_W)], so0)
        g3.wait()
        o3 = pltpu.async_copy(r1, out_hbm.at[pl.ds(offs[3], _B_PER_W)], so1)
        o2.wait()
        o3.wait()

    return k(blk_idx_flat, table)


def _sum_kernel(rows_ref, sub_ref, q_ref):
    acc = jnp.zeros((_TB, _DIM), dtype=jnp.float32)
    for l in range(_NQ):
        r = rows_ref[l]
        sub = sub_ref[:, l:l + 1]
        part = jnp.zeros((_TB, _DIM), dtype=jnp.float32)
        for o in range(_PACK):
            part = jnp.where(sub == o, r[:, o * _DIM:(o + 1) * _DIM], part)
        acc = acc + part
    q_ref[...] = acc


def _sum_levels(rows, sub_t):
    return pl.pallas_call(
        _sum_kernel,
        grid=(_N_TOKENS // _TB,),
        in_specs=[pl.BlockSpec((_NQ, _TB, 128), lambda i: (0, i, 0)),
                  pl.BlockSpec((_TB, _NQ), lambda i: (i, 0))],
        out_specs=pl.BlockSpec((_TB, _DIM), lambda i: (i, 0)),
        out_shape=jax.ShapeDtypeStruct((_N_TOKENS, _DIM), jnp.float32),
    )(rows, sub_t)


@functools.partial(jax.jit, static_argnames=())
def kernel(hidden_states, codebook_0, codebook_1, codebook_2, codebook_3):
    codebooks = [codebook_0, codebook_1, codebook_2, codebook_3]
    residual = hidden_states
    codes = []
    for cb in codebooks:
        r2 = jnp.sum(residual * residual, axis=-1, keepdims=True)
        c2 = jnp.sum(cb * cb, axis=-1)[None, :]
        dist = r2 - 2.0 * (residual @ cb.T) + c2
        idx = jnp.argmin(dist, axis=-1)
        chosen = jnp.take(cb, idx, axis=0)
        residual = residual - chosen
        codes.append(idx)
    codes = jnp.stack(codes, axis=0)
    blk_idx = (codes // _PACK
               + (jnp.arange(_NQ, dtype=jnp.int32) * _BLKROWS)[:, None]
               ).astype(jnp.int32).reshape(-1)
    table = jnp.concatenate([cb.reshape(_BLKROWS, 128) for cb in codebooks],
                            axis=0)
    rows = _sc_gather(blk_idx, table)
    sub_t = (codes % _PACK).astype(jnp.int32).T
    quantized = _sum_levels(rows.reshape(_NQ, _N_TOKENS, 128), sub_t)
    return (codes, quantized)

# --- scband reference (transcript-rebuilt; emitter-appended) ---
"""Pipeline reference for scband-residual-vector-quantizer-79697413144711 (READ-ONLY COPY).

The authoritative reference and input builder live on the scoring server;
editing this copy changes nothing except your own understanding.
"""

import jax, jax.numpy as jnp
import numpy as np

DIM = 32
NQ = 4
BINS = [8192, 8192, 8192, 8192]
N_TOKENS = 8192

def setup_inputs(seed: int = 0) -> dict:
    key = jax.random.key(seed)
    keys = jax.random.split(key, 1 + NQ)
    inp = {}
    inp["hidden_states"] = jax.random.normal(keys[0], (N_TOKENS, DIM), dtype=jnp.float32)
    for i in range(NQ):
        inp[f"codebook_{i}"] = jax.random.normal(keys[1 + i], (BINS[i], DIM), dtype=jnp.float32) * 0.02
    return inp

def reference(hidden_states, codebook_0, codebook_1, codebook_2, codebook_3):
    codebooks = [codebook_0, codebook_1, codebook_2, codebook_3]
    residual = hidden_states
    quantized = jnp.zeros_like(hidden_states)
    codes = []
    for i in range(NQ):
        cb = codebooks[i]
        # squared L2 distance: ||r - c||^2 = ||r||^2 - 2 r.c + ||c||^2
        # (expanded form avoids the [N, K, D] broadcast intermediate; same math)
        r2 = jnp.sum(residual * residual, axis=-1, keepdims=True)
        c2 = jnp.sum(cb * cb, axis=-1)[None, :]
        dist = r2 - 2.0 * (residual @ cb.T) + c2
        idx = jnp.argmin(dist, axis=-1)
        chosen = jnp.take(cb, idx, axis=0)
        quantized = quantized + chosen
        residual = residual - chosen
        codes.append(idx)
    return (jnp.stack(codes, axis=0), quantized)

if __name__ == "__main__":
    import jax
    _d = setup_inputs()
    print(jax.jit(kernel)(*tuple(_d.values())))

</pallas_src>

<mosaic_0001>
#map = affine_map<(d0, d1) -> (0)>
#map1 = affine_map<(d0, d1) -> (0, 0)>
module attributes {stable_mosaic.version = 14 : i64} {
  func.func @k(%arg0: i32, %arg1: i32, %arg2: memref<32768xi32, #tpu.memory_space<hbm>>, %arg3: memref<8192x128xf32, #tpu.memory_space<hbm>>, %arg4: memref<32768x128xf32, #tpu.memory_space<hbm>>, %arg5: memref<256xi32, #tpu.memory_space<vmem>>, %arg6: memref<256xi32, #tpu.memory_space<vmem>>, %arg7: memref<256x128xf32, #tpu.memory_space<vmem>>, %arg8: memref<256x128xf32, #tpu.memory_space<vmem>>, %arg9: memref<!tpu.dma_semaphore, #tpu.memory_space<semaphore_mem>>, %arg10: memref<!tpu.dma_semaphore, #tpu.memory_space<semaphore_mem>>, %arg11: memref<!tpu.dma_semaphore, #tpu.memory_space<semaphore_mem>>, %arg12: memref<!tpu.dma_semaphore, #tpu.memory_space<semaphore_mem>>) attributes {dimension_semantics = [#tpu.dimension_semantics<core_parallel>, #tpu.dimension_semantics<subcore_parallel>], iteration_bounds = array<i64: 2, 16>, scalar_prefetch = 0 : i64, scratch_operands = 8 : i64, tpu.core_type = #tpu.core_type<sc_vector_subcore>, window_params = [{transform_indices = #map}, {transform_indices = #map1}, {transform_indices = #map1}]} {
    %mul3A = arith.constant 2 : i32
    %mul3A_0 = arith.muli %arg1, %mul3A : i32
    %add3A = arith.addi %mul3A_0, %arg0 : i32
    %mul3A_1 = arith.constant 256 : i32
    %mul3A_2 = arith.muli %add3A, %mul3A_1 : i32
    %add3A_3 = arith.constant 0 : i32
    %add3A_4 = arith.addi %add3A_3, %mul3A_2 : i32
    %add3A_5 = arith.constant 8192 : i32
    %add3A_6 = arith.addi %add3A_5, %mul3A_2 : i32
    %add3A_7 = arith.constant 16384 : i32
    %add3A_8 = arith.addi %add3A_7, %mul3A_2 : i32
    %add3A_9 = arith.constant 24576 : i32
    %add3A_10 = arith.addi %add3A_9, %mul3A_2 : i32
    "tpu.region"() ({
      %run_scoped3A = tpu.sem_alloc : memref<!tpu.dma_semaphore, #tpu.memory_space<semaphore_mem>>
      %dma_start3A_65 = tpu.memref_slice %arg2[%add3A_4] : memref<32768xi32, #tpu.memory_space<hbm>> -> memref<256xi32, #tpu.memory_space<hbm>>
      %dma_start3A_66 = tpu.memref_slice %arg2[%add3A_4] : memref<32768xi32, #tpu.memory_space<hbm>> -> memref<256xi32, #tpu.memory_space<hbm>>
      tpu.enqueue_dma source(%dma_start3A_66 : memref<256xi32, #tpu.memory_space<hbm>>) target(%arg5 : memref<256xi32, #tpu.memory_space<vmem>>) target_semaphore(%run_scoped3A : memref<!tpu.dma_semaphore, #tpu.memory_space<semaphore_mem>>)
      %dma_wait3A_67 = tpu.memref_slice %arg2[%add3A_4] : memref<32768xi32, #tpu.memory_space<hbm>> -> memref<256xi32, #tpu.memory_space<hbm>>
      %dma_wait3A_68 = tpu.memref_slice %arg2[%add3A_4] : memref<32768xi32, #tpu.memory_space<hbm>> -> memref<256xi32, #tpu.memory_space<hbm>>
      tpu.wait_dma2 semaphore(%run_scoped3A : memref<!tpu.dma_semaphore, #tpu.memory_space<semaphore_mem>>) src(%dma_wait3A_68 : memref<256xi32, #tpu.memory_space<hbm>>) dst(%arg5 : memref<256xi32, #tpu.memory_space<vmem>>)
      tpu.yield
    }) : () -> ()
    %dma_start3A = arith.constant 0 : i32
    %dma_start3A_11 = arith.constant 0 : i32
    %dma_start3A_12 = tpu.memref_slice %arg3[%dma_start3A, %dma_start3A_11] : memref<8192x128xf32, #tpu.memory_space<hbm>> -> memref<8192x128xf32, #tpu.memory_space<hbm>>
    tpu.enqueue_indirect_dma source(%dma_start3A_12 : memref<8192x128xf32, #tpu.memory_space<hbm>>) target(%arg7 : memref<256x128xf32, #tpu.memory_space<vmem>>) offsets(%arg5 : memref<256xi32, #tpu.memory_space<vmem>>) semaphore(%arg9 : memref<!tpu.dma_semaphore, #tpu.memory_space<semaphore_mem>>)
    "tpu.region"() ({
      %run_scoped3A = tpu.sem_alloc : memref<!tpu.dma_semaphore, #tpu.memory_space<semaphore_mem>>
      %dma_start3A_65 = tpu.memref_slice %arg2[%add3A_6] : memref<32768xi32, #tpu.memory_space<hbm>> -> memref<256xi32, #tpu.memory_space<hbm>>
      %dma_start3A_66 = tpu.memref_slice %arg2[%add3A_6] : memref<32768xi32, #tpu.memory_space<hbm>> -> memref<256xi32, #tpu.memory_space<hbm>>
      tpu.enqueue_dma source(%dma_start3A_66 : memref<256xi32, #tpu.memory_space<hbm>>) target(%arg6 : memref<256xi32, #tpu.memory_space<vmem>>) target_semaphore(%run_scoped3A : memref<!tpu.dma_semaphore, #tpu.memory_space<semaphore_mem>>)
      %dma_wait3A_67 = tpu.memref_slice %arg2[%add3A_6] : memref<32768xi32, #tpu.memory_space<hbm>> -> memref<256xi32, #tpu.memory_space<hbm>>
      %dma_wait3A_68 = tpu.memref_slice %arg2[%add3A_6] : memref<32768xi32, #tpu.memory_space<hbm>> -> memref<256xi32, #tpu.memory_space<hbm>>
      tpu.wait_dma2 semaphore(%run_scoped3A : memref<!tpu.dma_semaphore, #tpu.memory_space<semaphore_mem>>) src(%dma_wait3A_68 : memref<256xi32, #tpu.memory_space<hbm>>) dst(%arg6 : memref<256xi32, #tpu.memory_space<vmem>>)
      tpu.yield
    }) : () -> ()
    %dma_start3A_13 = arith.constant 0 : i32
    %dma_start3A_14 = arith.constant 0 : i32
    %dma_start3A_15 = tpu.memref_slice %arg3[%dma_start3A_13, %dma_start3A_14] : memref<8192x128xf32, #tpu.memory_space<hbm>> -> memref<8192x128xf32, #tpu.memory_space<hbm>>
    tpu.enqueue_indirect_dma source(%dma_start3A_15 : memref<8192x128xf32, #tpu.memory_space<hbm>>) target(%arg8 : memref<256x128xf32, #tpu.memory_space<vmem>>) offsets(%arg6 : memref<256xi32, #tpu.memory_space<vmem>>) semaphore(%arg10 : memref<!tpu.dma_semaphore, #tpu.memory_space<semaphore_mem>>)
    %dma_wait3A = arith.constant 0 : i32
    %dma_wait3A_16 = arith.constant 0 : i32
    %dma_wait3A_17 = tpu.memref_slice %arg3[%dma_wait3A, %dma_wait3A_16] : memref<8192x128xf32, #tpu.memory_space<hbm>> -> memref<8192x128xf32, #tpu.memory_space<hbm>>
    tpu.wait_indirect_dma semaphore(%arg9 : memref<!tpu.dma_semaphore, #tpu.memory_space<semaphore_mem>>) src(%dma_wait3A_17 : memref<8192x128xf32, #tpu.memory_space<hbm>>) dst(%arg7 : memref<256x128xf32, #tpu.memory_space<vmem>>)
    %dma_start3A_18 = arith.constant 0 : i32
    %dma_start3A_19 = tpu.memref_slice %arg4[%add3A_4, %dma_start3A_18] : memref<32768x128xf32, #tpu.memory_space<hbm>> -> memref<256x128xf32, #tpu.memory_space<hbm>>
    %dma_start3A_20 = arith.constant 0 : i32
    %dma_start3A_21 = tpu.memref_slice %arg4[%add3A_4, %dma_start3A_20] : memref<32768x128xf32, #tpu.memory_space<hbm>> -> memref<256x128xf32, #tpu.memory_space<hbm>>
    tpu.enqueue_dma source(%arg7 : memref<256x128xf32, #tpu.memory_space<vmem>>) target(%dma_start3A_21 : memref<256x128xf32, #tpu.memory_space<hbm>>) target_semaphore(%arg11 : memref<!tpu.dma_semaphore, #tpu.memory_space<semaphore_mem>>)
    %dma_wait3A_22 = arith.constant 0 : i32
    %dma_wait3A_23 = arith.constant 0 : i32
    %dma_wait3A_24 = tpu.memref_slice %arg3[%dma_wait3A_22, %dma_wait3A_23] : memref<8192x128xf32, #tpu.memory_space<hbm>> -> memref<8192x128xf32, #tpu.memory_space<hbm>>
    tpu.wait_indirect_dma semaphore(%arg10 : memref<!tpu.dma_semaphore, #tpu.memory_space<semaphore_mem>>) src(%dma_wait3A_24 : memref<8192x128xf32, #tpu.memory_space<hbm>>) dst(%arg8 : memref<256x128xf32, #tpu.memory_space<vmem>>)
    %dma_start3A_25 = arith.constant 0 : i32
    %dma_start3A_26 = tpu.memref_slice %arg4[%add3A_6, %dma_start3A_25] : memref<32768x128xf32, #tpu.memory_space<hbm>> -> memref<256x128xf32, #tpu.memory_space<hbm>>
    %dma_start3A_27 = arith.constant 0 : i32
    %dma_start3A_28 = tpu.memref_slice %arg4[%add3A_6, %dma_start3A_27] : memref<32768x128xf32, #tpu.memory_space<hbm>> -> memref<256x128xf32, #tpu.memory_space<hbm>>
    tpu.enqueue_dma source(%arg8 : memref<256x128xf32, #tpu.memory_space<vmem>>) target(%dma_start3A_28 : memref<256x128xf32, #tpu.memory_space<hbm>>) target_semaphore(%arg12 : memref<!tpu.dma_semaphore, #tpu.memory_space<semaphore_mem>>)
    %dma_wait3A_29 = arith.constant 0 : i32
    %dma_wait3A_30 = tpu.memref_slice %arg4[%add3A_4, %dma_wait3A_29] : memref<32768x128xf32, #tpu.memory_space<hbm>> -> memref<256x128xf32, #tpu.memory_space<hbm>>
    %dma_wait3A_31 = arith.constant 0 : i32
    %dma_wait3A_32 = tpu.memref_slice %arg4[%add3A_4, %dma_wait3A_31] : memref<32768x128xf32, #tpu.memory_space<hbm>> -> memref<256x128xf32, #tpu.memory_space<hbm>>
    tpu.wait_dma2 semaphore(%arg11 : memref<!tpu.dma_semaphore, #tpu.memory_space<semaphore_mem>>) src(%arg7 : memref<256x128xf32, #tpu.memory_space<vmem>>) dst(%dma_wait3A_32 : memref<256x128xf32, #tpu.memory_space<hbm>>)
    "tpu.region"() ({
      %run_scoped3A = tpu.sem_alloc : memref<!tpu.dma_semaphore, #tpu.memory_space<semaphore_mem>>
      %dma_start3A_65 = tpu.memref_slice %arg2[%add3A_8] : memref<32768xi32, #tpu.memory_space<hbm>> -> memref<256xi32, #tpu.memory_space<hbm>>
      %dma_start3A_66 = tpu.memref_slice %arg2[%add3A_8] : memref<32768xi32, #tpu.memory_space<hbm>> -> memref<256xi32, #tpu.memory_space<hbm>>
      tpu.enqueue_dma source(%dma_start3A_66 : memref<256xi32, #tpu.memory_space<hbm>>) target(%arg5 : memref<256xi32, #tpu.memory_space<vmem>>) target_semaphore(%run_scoped3A : memref<!tpu.dma_semaphore, #tpu.memory_space<semaphore_mem>>)
      %dma_wait3A_67 = tpu.memref_slice %arg2[%add3A_8] : memref<32768xi32, #tpu.memory_space<hbm>> -> memref<256xi32, #tpu.memory_space<hbm>>
      %dma_wait3A_68 = tpu.memref_slice %arg2[%add3A_8] : memref<32768xi32, #tpu.memory_space<hbm>> -> memref<256xi32, #tpu.memory_space<hbm>>
      tpu.wait_dma2 semaphore(%run_scoped3A : memref<!tpu.dma_semaphore, #tpu.memory_space<semaphore_mem>>) src(%dma_wait3A_68 : memref<256xi32, #tpu.memory_space<hbm>>) dst(%arg5 : memref<256xi32, #tpu.memory_space<vmem>>)
      tpu.yield
    }) : () -> ()
    %dma_start3A_33 = arith.constant 0 : i32
    %dma_start3A_34 = arith.constant 0 : i32
    %dma_start3A_35 = tpu.memref_slice %arg3[%dma_start3A_33, %dma_start3A_34] : memref<8192x128xf32, #tpu.memory_space<hbm>> -> memref<8192x128xf32, #tpu.memory_space<hbm>>
    tpu.enqueue_indirect_dma source(%dma_start3A_35 : memref<8192x128xf32, #tpu.memory_space<hbm>>) target(%arg7 : memref<256x128xf32, #tpu.memory_space<vmem>>) offsets(%arg5 : memref<256xi32, #tpu.memory_space<vmem>>) semaphore(%arg9 : memref<!tpu.dma_semaphore, #tpu.memory_space<semaphore_mem>>)
    %dma_wait3A_36 = arith.constant 0 : i32
    %dma_wait3A_37 = tpu.memref_slice %arg4[%add3A_6, %dma_wait3A_36] : memref<32768x128xf32, #tpu.memory_space<hbm>> -> memref<256x128xf32, #tpu.memory_space<hbm>>
    %dma_wait3A_38 = arith.constant 0 : i32
    %dma_wait3A_39 = tpu.memref_slice %arg4[%add3A_6, %dma_wait3A_38] : memref<32768x128xf32, #tpu.memory_space<hbm>> -> memref<256x128xf32, #tpu.memory_space<hbm>>
    tpu.wait_dma2 semaphore(%arg12 : memref<!tpu.dma_semaphore, #tpu.memory_space<semaphore_mem>>) src(%arg8 : memref<256x128xf32, #tpu.memory_space<vmem>>) dst(%dma_wait3A_39 : memref<256x128xf32, #tpu.memory_space<hbm>>)
    "tpu.region"() ({
      %run_scoped3A = tpu.sem_alloc : memref<!tpu.dma_semaphore, #tpu.memory_space<semaphore_mem>>
      %dma_start3A_65 = tpu.memref_slice %arg2[%add3A_10] : memref<32768xi32, #tpu.memory_space<hbm>> -> memref<256xi32, #tpu.memory_space<hbm>>
      %dma_start3A_66 = tpu.memref_slice %arg2[%add3A_10] : memref<32768xi32, #tpu.memory_space<hbm>> -> memref<256xi32, #tpu.memory_space<hbm>>
      tpu.enqueue_dma source(%dma_start3A_66 : memref<256xi32, #tpu.memory_space<hbm>>) target(%arg6 : memref<256xi32, #tpu.memory_space<vmem>>) target_semaphore(%run_scoped3A : memref<!tpu.dma_semaphore, #tpu.memory_space<semaphore_mem>>)
      %dma_wait3A_67 = tpu.memref_slice %arg2[%add3A_10] : memref<32768xi32, #tpu.memory_space<hbm>> -> memref<256xi32, #tpu.memory_space<hbm>>
      %dma_wait3A_68 = tpu.memref_slice %arg2[%add3A_10] : memref<32768xi32, #tpu.memory_space<hbm>> -> memref<256xi32, #tpu.memory_space<hbm>>
      tpu.wait_dma2 semaphore(%run_scoped3A : memref<!tpu.dma_semaphore, #tpu.memory_space<semaphore_mem>>) src(%dma_wait3A_68 : memref<256xi32, #tpu.memory_space<hbm>>) dst(%arg6 : memref<256xi32, #tpu.memory_space<vmem>>)
      tpu.yield
    }) : () -> ()
    %dma_start3A_40 = arith.constant 0 : i32
    %dma_start3A_41 = arith.constant 0 : i32
    %dma_start3A_42 = tpu.memref_slice %arg3[%dma_start3A_40, %dma_start3A_41] : memref<8192x128xf32, #tpu.memory_space<hbm>> -> memref<8192x128xf32, #tpu.memory_space<hbm>>
    tpu.enqueue_indirect_dma source(%dma_start3A_42 : memref<8192x128xf32, #tpu.memory_space<hbm>>) target(%arg8 : memref<256x128xf32, #tpu.memory_space<vmem>>) offsets(%arg6 : memref<256xi32, #tpu.memory_space<vmem>>) semaphore(%arg10 : memref<!tpu.dma_semaphore, #tpu.memory_space<semaphore_mem>>)
    %dma_wait3A_43 = arith.constant 0 : i32
    %dma_wait3A_44 = arith.constant 0 : i32
    %dma_wait3A_45 = tpu.memref_slice %arg3[%dma_wait3A_43, %dma_wait3A_44] : memref<8192x128xf32, #tpu.memory_space<hbm>> -> memref<8192x128xf32, #tpu.memory_space<hbm>>
    tpu.wait_indirect_dma semaphore(%arg9 : memref<!tpu.dma_semaphore, #tpu.memory_space<semaphore_mem>>) src(%dma_wait3A_45 : memref<8192x128xf32, #tpu.memory_space<hbm>>) dst(%arg7 : memref<256x128xf32, #tpu.memory_space<vmem>>)
    %dma_start3A_46 = arith.constant 0 : i32
    %dma_start3A_47 = tpu.memref_slice %arg4[%add3A_8, %dma_start3A_46] : memref<32768x128xf32, #tpu.memory_space<hbm>> -> memref<256x128xf32, #tpu.memory_space<hbm>>
    %dma_start3A_48 = arith.constant 0 : i32
    %dma_start3A_49 = tpu.memref_slice %arg4[%add3A_8, %dma_start3A_48] : memref<32768x128xf32, #tpu.memory_space<hbm>> -> memref<256x128xf32, #tpu.memory_space<hbm>>
    tpu.enqueue_dma source(%arg7 : memref<256x128xf32, #tpu.memory_space<vmem>>) target(%dma_start3A_49 : memref<256x128xf32, #tpu.memory_space<hbm>>) target_semaphore(%arg11 : memref<!tpu.dma_semaphore, #tpu.memory_space<semaphore_mem>>)
    %dma_wait3A_50 = arith.constant 0 : i32
    %dma_wait3A_51 = arith.constant 0 : i32
    %dma_wait3A_52 = tpu.memref_slice %arg3[%dma_wait3A_50, %dma_wait3A_51] : memref<8192x128xf32, #tpu.memory_space<hbm>> -> memref<8192x128xf32, #tpu.memory_space<hbm>>
    tpu.wait_indirect_dma semaphore(%arg10 : memref<!tpu.dma_semaphore, #tpu.memory_space<semaphore_mem>>) src(%dma_wait3A_52 : memref<8192x128xf32, #tpu.memory_space<hbm>>) dst(%arg8 : memref<256x128xf32, #tpu.memory_space<vmem>>)
    %dma_start3A_53 = arith.constant 0 : i32
    %dma_start3A_54 = tpu.memref_slice %arg4[%add3A_10, %dma_start3A_53] : memref<32768x128xf32, #tpu.memory_space<hbm>> -> memref<256x128xf32, #tpu.memory_space<hbm>>
    %dma_start3A_55 = arith.constant 0 : i32
    %dma_start3A_56 = tpu.memref_slice %arg4[%add3A_10, %dma_start3A_55] : memref<32768x128xf32, #tpu.memory_space<hbm>> -> memref<256x128xf32, #tpu.memory_space<hbm>>
    tpu.enqueue_dma source(%arg8 : memref<256x128xf32, #tpu.memory_space<vmem>>) target(%dma_start3A_56 : memref<256x128xf32, #tpu.memory_space<hbm>>) target_semaphore(%arg12 : memref<!tpu.dma_semaphore, #tpu.memory_space<semaphore_mem>>)
    %dma_wait3A_57 = arith.constant 0 : i32
    %dma_wait3A_58 = tpu.memref_slice %arg4[%add3A_8, %dma_wait3A_57] : memref<32768x128xf32, #tpu.memory_space<hbm>> -> memref<256x128xf32, #tpu.memory_space<hbm>>
    %dma_wait3A_59 = arith.constant 0 : i32
    %dma_wait3A_60 = tpu.memref_slice %arg4[%add3A_8, %dma_wait3A_59] : memref<32768x128xf32, #tpu.memory_space<hbm>> -> memref<256x128xf32, #tpu.memory_space<hbm>>
    tpu.wait_dma2 semaphore(%arg11 : memref<!tpu.dma_semaphore, #tpu.memory_space<semaphore_mem>>) src(%arg7 : memref<256x128xf32, #tpu.memory_space<vmem>>) dst(%dma_wait3A_60 : memref<256x128xf32, #tpu.memory_space<hbm>>)
    %dma_wait3A_61 = arith.constant 0 : i32
    %dma_wait3A_62 = tpu.memref_slice %arg4[%add3A_10, %dma_wait3A_61] : memref<32768x128xf32, #tpu.memory_space<hbm>> -> memref<256x128xf32, #tpu.memory_space<hbm>>
    %dma_wait3A_63 = arith.constant 0 : i32
    %dma_wait3A_64 = tpu.memref_slice %arg4[%add3A_10, %dma_wait3A_63] : memref<32768x128xf32, #tpu.memory_space<hbm>> -> memref<256x128xf32, #tpu.memory_space<hbm>>
    tpu.wait_dma2 semaphore(%arg12 : memref<!tpu.dma_semaphore, #tpu.memory_space<semaphore_mem>>) src(%arg8 : memref<256x128xf32, #tpu.memory_space<vmem>>) dst(%dma_wait3A_64 : memref<256x128xf32, #tpu.memory_space<hbm>>)
    return
  }
}

module attributes {stable_mosaic.version = 14 : i64} {
  func.func @_sum_kernel(%arg0: i32, %arg1: memref<4x512x128xf32, #tpu.memory_space<vmem>>, %arg2: memref<512x4xi32, #tpu.memory_space<vmem>>, %arg3: memref<512x32xf32, #tpu.memory_space<vmem>>) attributes {dimension_semantics = [#tpu.dimension_semantics<arbitrary>], iteration_bounds = array<i64: 16>, scalar_prefetch = 0 : i64, scratch_operands = 0 : i64, tpu.core_type = #tpu.core_type<tc>, window_params = [{transform_indices = @transform_0, window_bounds = array<i64: 4, 512, 128>}, {transform_indices = @transform_1, window_bounds = array<i64: 512, 4>}, {transform_indices = @transform_2, window_bounds = array<i64: 512, 32>}]} {
    %broadcast_in_dim3A = arith.constant 0.000000e+00 : f32
    %broadcast_in_dim3A_0 = vector.broadcast %broadcast_in_dim3A : f32 to vector<512x32xf32>
    %get3A = arith.constant 0 : index
    %get3A_1 = arith.constant 0 : index
    %get3A_2 = arith.constant 0 : index
    %get3A_3 = vector.load %arg1[%get3A, %get3A_1, %get3A_2] : memref<4x512x128xf32, #tpu.memory_space<vmem>>, vector<1x512x128xf32>
    %get3A_4 = vector.shape_cast %get3A_3 : vector<1x512x128xf32> to vector<512x128xf32>
    %get3A_5 = arith.constant 0 : index
    %get3A_6 = arith.constant 0 : index
    %get3A_7 = vector.load %arg2[%get3A_5, %get3A_6] : memref<512x4xi32, #tpu.memory_space<vmem>>, vector<512x1xi32>
    %broadcast_in_dim3A_8 = arith.constant 0.000000e+00 : f32
    %broadcast_in_dim3A_9 = vector.broadcast %broadcast_in_dim3A_8 : f32 to vector<512x32xf32>
    %eq3A = arith.constant 0 : i32
    %eq3A_10 = vector.broadcast %eq3A : i32 to vector<512x1xi32>
    %eq3A_11 = arith.cmpi eq, %get3A_7, %eq3A_10 : vector<512x1xi32>
    %slice3A = vector.extract_strided_slice %get3A_4 {offsets = [0, 0], sizes = [512, 32], strides = [1, 1]} : vector<512x128xf32> to vector<512x32xf32>
    %broadcast_in_dim3A_12 = vector.shape_cast %eq3A_11 : vector<512x1xi1> to vector<512x1xi1>
    %broadcast_in_dim3A_13 = vector.broadcast %broadcast_in_dim3A_12 : vector<512x1xi1> to vector<512x32xi1>
    %select_n3A = arith.select %broadcast_in_dim3A_13, %slice3A, %broadcast_in_dim3A_9 : vector<512x32xi1>, vector<512x32xf32>
    %eq3A_14 = arith.constant 1 : i32
    %eq3A_15 = vector.broadcast %eq3A_14 : i32 to vector<512x1xi32>
    %eq3A_16 = arith.cmpi eq, %get3A_7, %eq3A_15 : vector<512x1xi32>
    %slice3A_17 = vector.extract_strided_slice %get3A_4 {offsets = [0, 32], sizes = [512, 32], strides = [1, 1]} : vector<512x128xf32> to vector<512x32xf32>
    %broadcast_in_dim3A_18 = vector.shape_cast %eq3A_16 : vector<512x1xi1> to vector<512x1xi1>
    %broadcast_in_dim3A_19 = vector.broadcast %broadcast_in_dim3A_18 : vector<512x1xi1> to vector<512x32xi1>
    %select_n3A_20 = arith.select %broadcast_in_dim3A_19, %slice3A_17, %select_n3A : vector<512x32xi1>, vector<512x32xf32>
    %eq3A_21 = arith.constant 2 : i32
    %eq3A_22 = vector.broadcast %eq3A_21 : i32 to vector<512x1xi32>
    %eq3A_23 = arith.cmpi eq, %get3A_7, %eq3A_22 : vector<512x1xi32>
    %slice3A_24 = vector.extract_strided_slice %get3A_4 {offsets = [0, 64], sizes = [512, 32], strides = [1, 1]} : vector<512x128xf32> to vector<512x32xf32>
    %broadcast_in_dim3A_25 = vector.shape_cast %eq3A_23 : vector<512x1xi1> to vector<512x1xi1>
    %broadcast_in_dim3A_26 = vector.broadcast %broadcast_in_dim3A_25 : vector<512x1xi1> to vector<512x32xi1>
    %select_n3A_27 = arith.select %broadcast_in_dim3A_26, %slice3A_24, %select_n3A_20 : vector<512x32xi1>, vector<512x32xf32>
    %eq3A_28 = arith.constant 3 : i32
    %eq3A_29 = vector.broadcast %eq3A_28 : i32 to vector<512x1xi32>
    %eq3A_30 = arith.cmpi eq, %get3A_7, %eq3A_29 : vector<512x1xi32>
    %slice3A_31 = vector.extract_strided_slice %get3A_4 {offsets = [0, 96], sizes = [512, 32], strides = [1, 1]} : vector<512x128xf32> to vector<512x32xf32>
    %broadcast_in_dim3A_32 = vector.shape_cast %eq3A_30 : vector<512x1xi1> to vector<512x1xi1>
    %broadcast_in_dim3A_33 = vector.broadcast %broadcast_in_dim3A_32 : vector<512x1xi1> to vector<512x32xi1>
    %select_n3A_34 = arith.select %broadcast_in_dim3A_33, %slice3A_31, %select_n3A_27 : vector<512x32xi1>, vector<512x32xf32>
    %add3A = arith.addf %broadcast_in_dim3A_0, %select_n3A_34 : vector<512x32xf32>
    %get3A_35 = arith.constant 1 : index
    %get3A_36 = arith.constant 0 : index
    %get3A_37 = arith.constant 0 : index
    %get3A_38 = vector.load %arg1[%get3A_35, %get3A_36, %get3A_37] : memref<4x512x128xf32, #tpu.memory_space<vmem>>, vector<1x512x128xf32>
    %get3A_39 = vector.shape_cast %get3A_38 : vector<1x512x128xf32> to vector<512x128xf32>
    %get3A_40 = arith.constant 0 : index
    %get3A_41 = arith.constant 1 : index
    %get3A_42 = vector.load %arg2[%get3A_40, %get3A_41] : memref<512x4xi32, #tpu.memory_space<vmem>>, vector<512x1xi32>
    %broadcast_in_dim3A_43 = arith.constant 0.000000e+00 : f32
    %broadcast_in_dim3A_44 = vector.broadcast %broadcast_in_dim3A_43 : f32 to vector<512x32xf32>
    %eq3A_45 = arith.constant 0 : i32
    %eq3A_46 = vector.broadcast %eq3A_45 : i32 to vector<512x1xi32>
    %eq3A_47 = arith.cmpi eq, %get3A_42, %eq3A_46 : vector<512x1xi32>
    %slice3A_48 = vector.extract_strided_slice %get3A_39 {offsets = [0, 0], sizes = [512, 32], strides = [1, 1]} : vector<512x128xf32> to vector<512x32xf32>
    %broadcast_in_dim3A_49 = vector.shape_cast %eq3A_47 : vector<512x1xi1> to vector<512x1xi1>
    %broadcast_in_dim3A_50 = vector.broadcast %broadcast_in_dim3A_49 : vector<512x1xi1> to vector<512x32xi1>
    %select_n3A_51 = arith.select %broadcast_in_dim3A_50, %slice3A_48, %broadcast_in_dim3A_44 : vector<512x32xi1>, vector<512x32xf32>
    %eq3A_52 = arith.constant 1 : i32
    %eq3A_53 = vector.broadcast %eq3A_52 : i32 to vector<512x1xi32>
    %eq3A_54 = arith.cmpi eq, %get3A_42, %eq3A_53 : vector<512x1xi32>
    %slice3A_55 = vector.extract_strided_slice %get3A_39 {offsets = [0, 32], sizes = [512, 32], strides = [1, 1]} : vector<512x128xf32> to vector<512x32xf32>
    %broadcast_in_dim3A_56 = vector.shape_cast %eq3A_54 : vector<512x1xi1> to vector<512x1xi1>
    %broadcast_in_dim3A_57 = vector.broadcast %broadcast_in_dim3A_56 : vector<512x1xi1> to vector<512x32xi1>
    %select_n3A_58 = arith.select %broadcast_in_dim3A_57, %slice3A_55, %select_n3A_51 : vector<512x32xi1>, vector<512x32xf32>
    %eq3A_59 = arith.constant 2 : i32
    %eq3A_60 = vector.broadcast %eq3A_59 : i32 to vector<512x1xi32>
    %eq3A_61 = arith.cmpi eq, %get3A_42, %eq3A_60 : vector<512x1xi32>
    %slice3A_62 = vector.extract_strided_slice %get3A_39 {offsets = [0, 64], sizes = [512, 32], strides = [1, 1]} : vector<512x128xf32> to vector<512x32xf32>
    %broadcast_in_dim3A_63 = vector.shape_cast %eq3A_61 : vector<512x1xi1> to vector<512x1xi1>
    %broadcast_in_dim3A_64 = vector.broadcast %broadcast_in_dim3A_63 : vector<512x1xi1> to vector<512x32xi1>
    %select_n3A_65 = arith.select %broadcast_in_dim3A_64, %slice3A_62, %select_n3A_58 : vector<512x32xi1>, vector<512x32xf32>
    %eq3A_66 = arith.constant 3 : i32
    %eq3A_67 = vector.broadcast %eq3A_66 : i32 to vector<512x1xi32>
    %eq3A_68 = arith.cmpi eq, %get3A_42, %eq3A_67 : vector<512x1xi32>
    %slice3A_69 = vector.extract_strided_slice %get3A_39 {offsets = [0, 96], sizes = [512, 32], strides = [1, 1]} : vector<512x128xf32> to vector<512x32xf32>
    %broadcast_in_dim3A_70 = vector.shape_cast %eq3A_68 : vector<512x1xi1> to vector<512x1xi1>
    %broadcast_in_dim3A_71 = vector.broadcast %broadcast_in_dim3A_70 : vector<512x1xi1> to vector<512x32xi1>
    %select_n3A_72 = arith.select %broadcast_in_dim3A_71, %slice3A_69, %select_n3A_65 : vector<512x32xi1>, vector<512x32xf32>
    %add3A_73 = arith.addf %add3A, %select_n3A_72 : vector<512x32xf32>
    %get3A_74 = arith.constant 2 : index
    %get3A_75 = arith.constant 0 : index
    %get3A_76 = arith.constant 0 : index
    %get3A_77 = vector.load %arg1[%get3A_74, %get3A_75, %get3A_76] : memref<4x512x128xf32, #tpu.memory_space<vmem>>, vector<1x512x128xf32>
    %get3A_78 = vector.shape_cast %get3A_77 : vector<1x512x128xf32> to vector<512x128xf32>
    %get3A_79 = arith.constant 0 : index
    %get3A_80 = arith.constant 2 : index
    %get3A_81 = vector.load %arg2[%get3A_79, %get3A_80] : memref<512x4xi32, #tpu.memory_space<vmem>>, vector<512x1xi32>
    %broadcast_in_dim3A_82 = arith.constant 0.000000e+00 : f32
    %broadcast_in_dim3A_83 = vector.broadcast %broadcast_in_dim3A_82 : f32 to vector<512x32xf32>
    %eq3A_84 = arith.constant 0 : i32
    %eq3A_85 = vector.broadcast %eq3A_84 : i32 to vector<512x1xi32>
    %eq3A_86 = arith.cmpi eq, %get3A_81, %eq3A_85 : vector<512x1xi32>
    %slice3A_87 = vector.extract_strided_slice %get3A_78 {offsets = [0, 0], sizes = [512, 32], strides = [1, 1]} : vector<512x128xf32> to vector<512x32xf32>
    %broadcast_in_dim3A_88 = vector.shape_cast %eq3A_86 : vector<512x1xi1> to vector<512x1xi1>
    %broadcast_in_dim3A_89 = vector.broadcast %broadcast_in_dim3A_88 : vector<512x1xi1> to vector<512x32xi1>
    %select_n3A_90 = arith.select %broadcast_in_dim3A_89, %slice3A_87, %broadcast_in_dim3A_83 : vector<512x32xi1>, vector<512x32xf32>
    %eq3A_91 = arith.constant 1 : i32
    %eq3A_92 = vector.broadcast %eq3A_91 : i32 to vector<512x1xi32>
    %eq3A_93 = arith.cmpi eq, %get3A_81, %eq3A_92 : vector<512x1xi32>
    %slice3A_94 = vector.extract_strided_slice %get3A_78 {offsets = [0, 32], sizes = [512, 32], strides = [1, 1]} : vector<512x128xf32> to vector<512x32xf32>
    %broadcast_in_dim3A_95 = vector.shape_cast %eq3A_93 : vector<512x1xi1> to vector<512x1xi1>
    %broadcast_in_dim3A_96 = vector.broadcast %broadcast_in_dim3A_95 : vector<512x1xi1> to vector<512x32xi1>
    %select_n3A_97 = arith.select %broadcast_in_dim3A_96, %slice3A_94, %select_n3A_90 : vector<512x32xi1>, vector<512x32xf32>
    %eq3A_98 = arith.constant 2 : i32
    %eq3A_99 = vector.broadcast %eq3A_98 : i32 to vector<512x1xi32>
    %eq3A_100 = arith.cmpi eq, %get3A_81, %eq3A_99 : vector<512x1xi32>
    %slice3A_101 = vector.extract_strided_slice %get3A_78 {offsets = [0, 64], sizes = [512, 32], strides = [1, 1]} : vector<512x128xf32> to vector<512x32xf32>
    %broadcast_in_dim3A_102 = vector.shape_cast %eq3A_100 : vector<512x1xi1> to vector<512x1xi1>
    %broadcast_in_dim3A_103 = vector.broadcast %broadcast_in_dim3A_102 : vector<512x1xi1> to vector<512x32xi1>
    %select_n3A_104 = arith.select %broadcast_in_dim3A_103, %slice3A_101, %select_n3A_97 : vector<512x32xi1>, vector<512x32xf32>
    %eq3A_105 = arith.constant 3 : i32
    %eq3A_106 = vector.broadcast %eq3A_105 : i32 to vector<512x1xi32>
    %eq3A_107 = arith.cmpi eq, %get3A_81, %eq3A_106 : vector<512x1xi32>
    %slice3A_108 = vector.extract_strided_slice %get3A_78 {offsets = [0, 96], sizes = [512, 32], strides = [1, 1]} : vector<512x128xf32> to vector<512x32xf32>
    %broadcast_in_dim3A_109 = vector.shape_cast %eq3A_107 : vector<512x1xi1> to vector<512x1xi1>
    %broadcast_in_dim3A_110 = vector.broadcast %broadcast_in_dim3A_109 : vector<512x1xi1> to vector<512x32xi1>
    %select_n3A_111 = arith.select %broadcast_in_dim3A_110, %slice3A_108, %select_n3A_104 : vector<512x32xi1>, vector<512x32xf32>
    %add3A_112 = arith.addf %add3A_73, %select_n3A_111 : vector<512x32xf32>
    %get3A_113 = arith.constant 3 : index
    %get3A_114 = arith.constant 0 : index
    %get3A_115 = arith.constant 0 : index
    %get3A_116 = vector.load %arg1[%get3A_113, %get3A_114, %get3A_115] : memref<4x512x128xf32, #tpu.memory_space<vmem>>, vector<1x512x128xf32>
    %get3A_117 = vector.shape_cast %get3A_116 : vector<1x512x128xf32> to vector<512x128xf32>
    %get3A_118 = arith.constant 0 : index
    %get3A_119 = arith.constant 3 : index
    %get3A_120 = vector.load %arg2[%get3A_118, %get3A_119] : memref<512x4xi32, #tpu.memory_space<vmem>>, vector<512x1xi32>
    %broadcast_in_dim3A_121 = arith.constant 0.000000e+00 : f32
    %broadcast_in_dim3A_122 = vector.broadcast %broadcast_in_dim3A_121 : f32 to vector<512x32xf32>
    %eq3A_123 = arith.constant 0 : i32
    %eq3A_124 = vector.broadcast %eq3A_123 : i32 to vector<512x1xi32>
    %eq3A_125 = arith.cmpi eq, %get3A_120, %eq3A_124 : vector<512x1xi32>
    %slice3A_126 = vector.extract_strided_slice %get3A_117 {offsets = [0, 0], sizes = [512, 32], strides = [1, 1]} : vector<512x128xf32> to vector<512x32xf32>
    %broadcast_in_dim3A_127 = vector.shape_cast %eq3A_125 : vector<512x1xi1> to vector<512x1xi1>
    %broadcast_in_dim3A_128 = vector.broadcast %broadcast_in_dim3A_127 : vector<512x1xi1> to vector<512x32xi1>
    %select_n3A_129 = arith.select %broadcast_in_dim3A_128, %slice3A_126, %broadcast_in_dim3A_122 : vector<512x32xi1>, vector<512x32xf32>
    %eq3A_130 = arith.constant 1 : i32
    %eq3A_131 = vector.broadcast %eq3A_130 : i32 to vector<512x1xi32>
    %eq3A_132 = arith.cmpi eq, %get3A_120, %eq3A_131 : vector<512x1xi32>
    %slice3A_133 = vector.extract_strided_slice %get3A_117 {offsets = [0, 32], sizes = [512, 32], strides = [1, 1]} : vector<512x128xf32> to vector<512x32xf32>
    %broadcast_in_dim3A_134 = vector.shape_cast %eq3A_132 : vector<512x1xi1> to vector<512x1xi1>
    %broadcast_in_dim3A_135 = vector.broadcast %broadcast_in_dim3A_134 : vector<512x1xi1> to vector<512x32xi1>
    %select_n3A_136 = arith.select %broadcast_in_dim3A_135, %slice3A_133, %select_n3A_129 : vector<512x32xi1>, vector<512x32xf32>
    %eq3A_137 = arith.constant 2 : i32
    %eq3A_138 = vector.broadcast %eq3A_137 : i32 to vector<512x1xi32>
    %eq3A_139 = arith.cmpi eq, %get3A_120, %eq3A_138 : vector<512x1xi32>
    %slice3A_140 = vector.extract_strided_slice %get3A_117 {offsets = [0, 64], sizes = [512, 32], strides = [1, 1]} : vector<512x128xf32> to vector<512x32xf32>
    %broadcast_in_dim3A_141 = vector.shape_cast %eq3A_139 : vector<512x1xi1> to vector<512x1xi1>
    %broadcast_in_dim3A_142 = vector.broadcast %broadcast_in_dim3A_141 : vector<512x1xi1> to vector<512x32xi1>
    %select_n3A_143 = arith.select %broadcast_in_dim3A_142, %slice3A_140, %select_n3A_136 : vector<512x32xi1>, vector<512x32xf32>
    %eq3A_144 = arith.constant 3 : i32
    %eq3A_145 = vector.broadcast %eq3A_144 : i32 to vector<512x1xi32>
    %eq3A_146 = arith.cmpi eq, %get3A_120, %eq3A_145 : vector<512x1xi32>
    %slice3A_147 = vector.extract_strided_slice %get3A_117 {offsets = [0, 96], sizes = [512, 32], strides = [1, 1]} : vector<512x128xf32> to vector<512x32xf32>
    %broadcast_in_dim3A_148 = vector.shape_cast %eq3A_146 : vector<512x1xi1> to vector<512x1xi1>
    %broadcast_in_dim3A_149 = vector.broadcast %broadcast_in_dim3A_148 : vector<512x1xi1> to vector<512x32xi1>
    %select_n3A_150 = arith.select %broadcast_in_dim3A_149, %slice3A_147, %select_n3A_143 : vector<512x32xi1>, vector<512x32xf32>
    %add3A_151 = arith.addf %add3A_112, %select_n3A_150 : vector<512x32xf32>
    %swap3A = arith.constant 0 : index
    %swap3A_152 = arith.constant 0 : index
    %swap3A_153 = vector.load %arg3[%swap3A, %swap3A_152] : memref<512x32xf32, #tpu.memory_space<vmem>>, vector<512x32xf32>
    tpu.vector_store %arg3[%swap3A, %swap3A_152], %add3A_151 {strides = array<i32>} : memref<512x32xf32, #tpu.memory_space<vmem>>, vector<512x32xf32>,
    return
  }
  func.func @transform_0(%arg0: i32) -> (i32, i32, i32) {
    %c0_i32 = arith.constant 0 : i32
    %c0_i32_0 = arith.constant 0 : i32
    %c0_i32_1 = arith.constant 0 : i32
    return %c0_i32, %arg0, %c0_i32_0 : i32, i32, i32
  }
  func.func @transform_1(%arg0: i32) -> (i32, i32) {
    %c0_i32 = arith.constant 0 : i32
    %c0_i32_0 = arith.constant 0 : i32
    return %arg0, %c0_i32 : i32, i32
  }
  func.func @transform_2(%arg0: i32) -> (i32, i32) {
    %c0_i32 = arith.constant 0 : i32
    %c0_i32_0 = arith.constant 0 : i32
    return %arg0, %c0_i32 : i32, i32
  }
}

</mosaic_0001>

<sc_bundles>
// kernel: gather_offload_async_start.1
scs
__scs_entry_jumppad:
0x0: {  	(pc) =	sbr.rel $0x88, $3  }
0x1: {  	(tag) =	ssettag $0x0;
	lr =	simm.s32 $0x1  }
0x2: {  	[smem:$0x3F9C] =	sst lr;
	_ =	strace $0xD0000000  }
0x3: {  	_ = 	snop  }
0x4: {  	_ = 	snop  }
0x5: {  	_ = 	snop  }
0x6: {  	_ = 	snop  }
0x7: {  	_ = 	snop  }
__scs_overlays_trampoline_lowered:
0x8: {  	[smem:$0x3FAB] =	sst s0  }
0x9: {  	[smem:$0x3FAC] =	sst s1  }
0xa: {  	[smem:$0x3FAD] =	sst s2  }
0xb: {  	[smem:$0x3FAE] =	sst s3  }
0xc: {  	[smem:$0x3FAF] =	sst s4  }
0xd: {  	[smem:$0x3FB0] =	sst s5  }
0xe: {  	[smem:$0x3FB1] =	sst s6  }
0xf: {  	[smem:$0x3FB2] =	sst s7  }
0x10: {  	[smem:$0x3FB3] =	sst s8  }
0x11: {  	[smem:$0x3FB4] =	sst s9;
	s0 =	simm.s32 @!p0 $0x0  }
0x12: {  	s1 =	sld [smem:$0x3F9A];
	s0 =	simm.s32 @p0 $0x1  }
0x13: {  	[smem:$0x3FB5] =	sst s0;
	s0 =	simm.s32 @!p1 $0x0  }
0x14: {  	s2 =	sld [smem:$0x3F99];
	s0 =	simm.s32 @p1 $0x1  }
0x15: {  	[smem:$0x3FB6] =	sst s0;
	s0 =	simm.s32 @!p2 $0x0  }
0x16: {  	s3 =	sld [smem:$0x3FDB];
	s0 =	simm.s32 @p2 $0x1  }
0x17: {  	s4 =	simm.s32 $0x1BF5;
	[smem:$0x3FB8] =	sst s0  }
0x18: {  	s0 =	sld [smem:$0x3F9B];
	_ =	swait.ge [sflag:s4], $0x0  }
0x19: {  	s7 =	sld [smem:$0x3F9C]  }
0x1a: {  	s8 =	sadd.s32 $0xFFFFE003, lr  }
0x1b: {  	s9 =	sadd.s32 $0xFFFFFEF7, lr;
	s5 =	simm.s32 $0xFFFFFFFF;
	p2 =	slt.u32 s8, $0xFFFFF086  }
0x1c: {  	p1 =	slt.u32 s9, $0xF7A;
	s5 =	simm.s32 @!p2 $0x0  }
0x1d: {  	s5 =	simm.s32 @p1 $0x1;
	p0 =	seq.s32 s7, s2  }
0x1e: {  	s7 =	smul.u32 @!p0 $0xF7A, s2;
	p2 =	seq.s32 @!p0 s5, $0x0  }
0x1f: {  	s9 =	smul.u32 $0xF7A, s1;
	s8 =	simm.s32 @!p0 $0x1BF5;
	p2 =	por !p2, p0  }
0x20: {  	[sflag:s8] =	ssyncset.s32 @!p0 $0xFFFFF086;
	s6 =	sadd.s32 @!p0 s3, s7;
	s7 =	simm.s32 @!p0 $0x108  }
0x21: {  	s3 =	sadd.s32 s3, s9;
	s6 =	sadd.s32 @!p0 $0x88, s6;
	s7 =	simm.s32 @p2 $0x1082  }
0x22: {  	[simem:s7], [sflag:s8] =	dma.local @!p0 [hbm:s6], $0xF7A  }
0x23: {  	s9 =	sor.u32 $0xD0000000, s2;
	s6 =	simm.s32 $0x108;
	_ =	swait.ge @!p0 [sflag:s8], $0x0  }
0x24: {  	s3 =	sadd.s32 $0x88, s3;
	s6 =	simm.s32 @!p1 $0x1082;
	[sflag:s4] =	ssyncset.s32 $0xFFFFF086  }
0x25: {  	[simem:s6], [sflag:s4] =	dma.local [hbm:s3], $0xF7A  }
0x26: {  	[smem:$0x3F9C] =	sst s1;
	(tag) =	ssettag s2;
	_ =	strace s9  }
0x27: {  	s1 =	sld [smem:$0x3FAC]  }
0x28: {  	s2 =	sld [smem:$0x3FAD]  }
0x29: {  	s4 =	sld [smem:$0x3FAF]  }
0x2a: {  	p0 =	seq.s32 s5, $0x0;
	s5 =	sld [smem:$0x3FB0]  }
0x2b: {  	s6 =	sld [smem:$0x3FB1]  }
0x2c: {  	s7 =	sld [smem:$0x3FB2]  }
0x2d: {  	s3 =	simm.s32 $0x108;
	s8 =	sld [smem:$0x3FB3]  }
0x2e: {  	s3 =	simm.s32 @!p0 $0x1082;
	s9 =	sld [smem:$0x3FB4]  }
0x2f: {  	lr =	sadd.s32 s0, s3;
	s0 =	sld [smem:$0x3FAB]  }
0x30: {  	s3 =	sld [smem:$0x3FAE]  }
0x31: {  	[smem:$0x3FB7] =	sst s10  }
0x32: {  	s10 =	sld [smem:$0x3FB5];
	_ =	sdelay $0x3  }
0x33: {  	p0 =	seq.s32 s10, $0x1;
	s10 =	sld [smem:$0x3FB7];
	_ =	sdelay $0x3  }
0x34: {  	[smem:$0x3FB7] =	sst s10  }
0x35: {  	s10 =	sld [smem:$0x3FB6];
	_ =	sdelay $0x3  }
0x36: {  	p1 =	seq.s32 s10, $0x1;
	s10 =	sld [smem:$0x3FB7];
	_ =	sdelay $0x3  }
0x37: {  	[smem:$0x3FB7] =	sst s10  }
0x38: {  	s10 =	sld [smem:$0x3FB8]  }
0x39: {  	_ = 	snop;
	(pc) =	sbr.ind lr, $3  }
0x3a: {  	_ = 	snop  }
0x3b: {  	_ = 	snop  }
0x3c: {  	p2 =	seq.s32 s10, $0x1;
	s10 =	sld [smem:$0x3FB7]  }
0x3d: {  	_ =	shalt  }
0x3e: {  	_ =	shalt  }
0x3f: {  	_ =	shalt  }
0x40: {  	_ =	shalt  }
0x41: {  	_ =	shalt  }
0x42: {  	_ =	shalt  }
0x43: {  	_ =	shalt  }
0x44: {  	_ =	shalt  }
0x45: {  	_ =	shalt  }
0x46: {  	_ =	shalt  }
0x47: {  	_ =	shalt  }
0x48: {  	_ =	shalt  }
0x49: {  	_ =	shalt  }
0x4a: {  	_ =	shalt  }
0x4b: {  	_ =	shalt  }
0x4c: {  	_ =	shalt  }
0x4d: {  	_ =	shalt  }
0x4e: {  	_ =	shalt  }
0x4f: {  	_ =	shalt  }
0x50: {  	_ =	shalt  }
0x51: {  	_ =	shalt  }
0x52: {  	_ =	shalt  }
0x53: {  	_ =	shalt  }
0x54: {  	_ =	shalt  }
0x55: {  	_ =	shalt  }
0x56: {  	_ =	shalt  }
0x57: {  	_ =	shalt  }
0x58: {  	_ =	shalt  }
0x59: {  	_ =	shalt  }
0x5a: {  	_ =	shalt  }
0x5b: {  	_ =	shalt  }
0x5c: {  	_ =	shalt  }
0x5d: {  	_ =	shalt  }
0x5e: {  	_ =	shalt  }
0x5f: {  	_ =	shalt  }
0x60: {  	_ =	shalt  }
0x61: {  	_ =	shalt  }
0x62: {  	_ =	shalt  }
0x63: {  	_ =	shalt  }
0x64: {  	_ =	shalt  }
0x65: {  	_ =	shalt  }
0x66: {  	_ =	shalt  }
0x67: {  	_ =	shalt  }
0x68: {  	_ =	shalt  }
0x69: {  	_ =	shalt  }
0x6a: {  	_ =	shalt  }
0x6b: {  	_ =	shalt  }
0x6c: {  	_ =	shalt  }
0x6d: {  	_ =	shalt  }
0x6e: {  	_ =	shalt  }
0x6f: {  	_ =	shalt  }
0x70: {  	_ =	shalt  }
0x71: {  	_ =	shalt  }
0x72: {  	_ =	shalt  }
0x73: {  	_ =	shalt  }
0x74: {  	_ =	shalt  }
0x75: {  	_ =	shalt  }
0x76: {  	_ =	shalt  }
0x77: {  	_ =	shalt  }
0x78: {  	_ =	shalt  }
0x79: {  	_ =	shalt  }
0x7a: {  	_ =	shalt  }
0x7b: {  	_ =	shalt  }
0x7c: {  	_ =	shalt  }
0x7d: {  	_ =	shalt  }
0x7e: {  	_ =	shalt  }
0x7f: {  	_ =	shalt  }
0x80: {  	_ =	shalt  }
0x81: {  	_ =	shalt  }
0x82: {  	_ =	shalt  }
0x83: {  	_ =	shalt  }
0x84: {  	_ =	shalt  }
0x85: {  	_ =	shalt  }
0x86: {  	_ =	shalt  }
0x87: {  	_ =	shalt  }
.Lfunc_end0:
.L_simem_size_0:
called_computation.1_lowered:
.L_overlay_start_0:
0x88: {  	s2 =	sld [smem:$0x3FD9]  }
0x89: {  	s3 =	sld [smem:$0x3FFE];
	_ =	sdelay $0x1  }
0x8a: {  	s1 =	srdreg.scid  }
0x8b: {  	s0 =	sand.u32 $0x1, s1  }
0x8c: {  	s16 =	sshll.u32 s0, $0xA;
	s2 =	sadd.s32 s3, s2  }
0x8d: {  	s2 =	sadd.s32 s2, s16  }
0x8e: {  	[smem:$0x3FC3] =	sst s2  }
0x8f: {  	_ = 	snop  }
0x90: {  	(tm) =	ssettm $0x1  }
0x91: {  	s17 =	sld [smem:$0x3FFB];
	_ =	sdelay $0x3  }
0x92: {  	_ =	strace s17  }
0x93: {  	s2 =	sld [smem:$0x3FFC];
	_ =	sdelay $0x3  }
0x94: {  	_ =	strace s2  }
0x95: {  	s2 =	sld [smem:$0x3FFD];
	_ =	sdelay $0x3  }
0x96: {  	_ =	strace s2  }
0x97: {  	_ =	strace $0x8FFFFFFF  }
0x98: {  	s18 =	sld [smem:$0x3FDB];
	_ =	sdelay $0x1  }
0x99: {  	s19 =	simm.s32 $_scs_section_size  }
0x9a: {  	s4 =	simm.s32 $_size__tile_overlayer_lowered;
	s5 =	simm.s32 $_tile_overlayer_lowered  }
0x9b: {  	s22 =	simm.s32 $0x1BFF;
	s21 =	sshll.u32 s5, $0x1;
	s2 =	sadd.s32 s19, s18  }
0x9c: {  	s6 =	simm.s32 $0x0;
	s20 =	sshll.u32 s4, $0x1;
	s4 =	sadd.s32 s21, s2  }
0x9d: {  	[timem:s6], [sflag:s22] =	dma.local [hbm:s4], s20  }
0x9e: {  	_ =	swait.ge [sflag:s22], s20  }
0x9f: {  	s3 =	ssub.s32 $0x0, s20;
	[sflag:s22] =	ssyncset.done $0x0  }
0xa0: {  	[sflag:s22] =	ssyncadd.s32 s3;
	_ =	sdelay $0x1  }
0xa1: {  	s23 =	simm.s32 $0x1B8B  }
0xa2: {  	_ =	swait.ge [sflag:s23], $0x1  }
0xa3: {  	[sflag:s23] =	ssyncset.done $0x0  }
0xa4: {  	s25 =	simm.s32 $0x1B8E;
	s24 =	sld [smem:$0x3FFE];
	[sflag:s23] =	ssyncadd.s32 $0xFFFFFFFF  }
0xa5: {  	s26 =	simm.s32 $execute0_lowered;
	[smem:$0x3FD2] =	sst s25  }
0xa6: {  	s4 =	sshll.u32 s26, $0x1;
	_ =	strace $0x80000049;
	[dreg:$0x1] =	wrdreg $0xFFFFFFFF  }
0xa7: {  	s28 =	simm.s32 $_size_execute0_lowered;
	s2 =	sadd.s32 s2, s4;
	[dreg:$0x0] =	wrdreg $0x0  }
0xa8: {  	s4 =	sshll.u32 s28, $0x1;
	[dreg:$0x2] =	wrdreg s2  }
0xa9: {  	[dreg:$0x3] =	wrdreg s4  }
0xaa: {  	[dreg:$0x4] =	wrdreg $0xC0  }
0xab: {  	_ =	task [dreg:s6], $0x5FFFF  }
0xac: {  	[dreg:$0x1] =	wrdreg $0xFFFFFFFF  }
0xad: {  	[dreg:$0x0] =	wrdreg $0x60  }
0xae: {  	[dreg:$0x2] =	wrdreg s24  }
0xaf: {  	[dreg:$0x3] =	wrdreg $0x9  }
0xb0: {  	_ =	task.clear_ibuf [dreg:s6], $0x4FFFF;
	_ =	strace $0x90000049  }
0xb1: {  	s29 =	simm.s32 $0x9;
	_ =	strace $0x8000004B  }
0xb2: {  	_ =	swait.ge [sflag:s29], $0x1  }
0xb3: {  	[sflag:s29] =	ssyncadd.s32 $0xFFFFFFFF  }
0xb4: {  	_ =	strace $0x9000004B  }
0xb5: {  	_ =	sfence  }
0xb6: {  	s30 =	sld [smem:$0x0];
	_ =	sdelay $0x2  }
0xb7: {  	s31 =	sshll.u32 s1, $0xD;
	s1 =	sshrl.u32 s1, $0x2  }
0xb8: {  	s3 =	sand.u32 $0x4000, s31;
	s1 =	sadd.s32 s1, s30  }
0xb9: {  	s0 =	sor.u32 s3, s0;
	s1 =	sshll.u32 s1, $0x11  }
0xba: {  	s0 =	sor.u32 s1, s0  }
0xbb: {  	s0 =	sadd.s32 $0x8F2B, s0  }
0xbc: {  	[sflag:s0] =	ssyncadd.remote.s32 $0x1  }
0xbd: {  	_ =	sfence.sel $0xFFFF  }
0xbe: {  	[dreg:$0x0] =	wrdreg $0xFFFFFFFF;
	(pc) =	sbr.abs _section_cstart, $3  }
0xbf: {  	[dreg:$0x1] =	wrdreg $0xFFFFFFFF  }
0xc0: {  	_ =	task.clear_ibuf [dreg:s6], $0x2FFFF;
	_ =	strace $0x9FFFFFFF  }
0xc1: {  	(tm) =	ssettm $0x7FFFFFFF  }
tec
execute0_lowered:
.L_overlay_start_1:
0x0: {  	(tag) =	ssettag $0x1  }
0x1: {  	s2 =	rddreg [dreg:$0x0]  }
0x2: {  	s0 =	rddreg [dreg:$0x1]  }
0x3: {  	s1 =	srdreg.scid;
	_ =	strace $0x8000004A;
	s4 =	simm.s32 $0x1  }
0x4: {  	s9 =	simm.s32 $0x3;
	s12 =	simm.s32 $0x0;
	s5 =	sshll.u32 s1, $0x4  }
.Ltmp0:
0x5: {  	s1 =	stileid.u32;
	s5 =	sand.u32 $0x10, s5;
	(pc) =	sbr.rel .LBB2_1-.Ltmp0, $4  }
0x6: {  	s10 =	simm.s32 $0x0;
	s3 =	sadd.s32 $0x20800, s2;
	s6 =	sor.u32 s1, s5  }
0x7: {  	[sflag:s4] =	ssyncpa.u1 $0x0;
	s5 =	simm.s32 $0x2;
	s6 =	sshll.u32 s6, $0x8  }
0x8: {  	s7 =	sadd.s32 $0x80800, s2;
	[sflag:s5] =	ssyncpa.u1 $0x0;
	s8 =	sadd.s32 $0x100, s6  }
0x9: {  	vm0 =	vmmov $0xff;
	vm1 =	vcmask $0x3F20;
	[sflag:s9] =	ssyncpa.u1 $0x0;
	s9 =	simm.s32 $0x100;
	s11 =	smov.u32 s6  }
.LBB2_9:
0xa: {  	p0 =	seq.s32 s10, $0x2  }
.Ltmp1:
0xb: {  	_ = 	snop;
	(pc) =	sbr.rel @p0 .LBB2_11-.Ltmp1, $1  }
0xc: {  	_ =	sdelay $0x3  }
.LBB2_10:
0xd: {  	s12 =	sadd.s32 $0x100, s11  }
0xe: {  	s13 =	smov.u32 s6;
	p0 =	slt.s32 s12, s8  }
0xf: {  	s13 =	smov.u32 @p0 s12  }
0x10: {  	s10 =	sadd.s32 $0x1, s10;
	s12 =	smov.u32 s11;
	s11 =	smov.u32 s13  }
.LBB2_1:
0x11: {  	p0 =	sne.s32 s10, $0x0  }
.Ltmp2:
0x12: {  	_ = 	snop;
	(pc) =	sbr.rel @!p0 .LBB2_2-.Ltmp2, $1  }
0x13: {  	_ =	sdelay $0x3  }
0x14: {  	s13 =	sand.u32 $0x1, s10  }
0x15: {  	p0 =	seq.s32 s13, $0x0  }
.Ltmp3:
0x16: {  	_ = 	snop;
	(pc) =	sbr.rel @p0 .LBB2_9-.Ltmp3, $1  }
0x17: {  	_ =	sdelay $0x3  }
0x18: {  	_ =	swait.ge [sflag:s5], $0x100  }
0x19: {  	[sflag:s5] =	ssyncset.done $0x0  }
0x1a: {  	s13 =	simm.s32 $0x0;
	[sflag:s5] =	ssyncadd.s32 $0xFFFFFF00  }
0x1b: {  	v0 =	vld.msk [tilespmem:s13+$0x100 ss:$0x1], $0xffff;
	_ =	sdelay $0x4  }
0x1c: {  	vm2 =	vgt.s32 v0, $0x0  }
0x1d: {  	v0 =	vnsel vm2, $0x0, v0  }
0x1e: {  	v0 =	vmin.u32 v0, $0x1FFF  }
0x1f: {  	v0 =	vshll.u32 v0, $0x4;
	_ =	sdelay $0x3  }
0x20: {  	s13 =	simm.s32 $0x8200  }
0x21: {  	[tilespmem:s13], [sflag:$0x1] =	stream.indirect_vreg.gather [hbm:s3], $0x80, v0, vm0, $0x38;
	[tilespmem:$0x10200] =	vst v63  }
0x22: {  	s14 =	simm.s32 $0x8600;
	s31 =	simm.s32 $0x10  }
0x23: {  	[tilespmem:s14], [sflag:$0x1] =	stream.indirect_vreg.gather [hbm:s3], $0x80, v0, vm1, $0x38;
	[tilespmem:$0x10200] =	vst v63  }
0x24: {  	s14 =	simm.s32 $0x80;
	v0 =	vld.msk [tilespmem:s31+$0x100 ss:$0x1], $0xffff  }
.LBB2_5:
0x25: {  	p0 =	sne.s32 s14, $0x3C0;
	_ =	sdelay $0x4  }
0x26: {  	vm2 =	vgt.s32 v0, $0x0  }
0x27: {  	v0 =	vnsel vm2, $0x0, v0  }
0x28: {  	v0 =	vmin.u32 v0, $0x1FFF  }
0x29: {  	v0 =	vshll.u32 v0, $0x4;
	_ =	sdelay $0x3  }
.Ltmp4:
0x2a: {  	s13 =	sadd.s32 $0x800, s13;
	(pc) =	sbr.rel @p0 .LBB2_5-.Ltmp4, $4  }
0x2b: {  	[tilespmem:s13], [sflag:$0x1] =	stream.indirect_vreg.gather [hbm:s3], $0x80, v0, vm0, $0x38;
	[tilespmem:$0x10200] =	vst v63  }
0x2c: {  	s15 =	sshra.s32 s14, $0x2;
	s16 =	sadd.s32 $0x400, s13  }
0x2d: {  	[tilespmem:s16], [sflag:$0x1] =	stream.indirect_vreg.gather [hbm:s3], $0x80, v0, vm1, $0x38;
	[tilespmem:$0x10200] =	vst v63  }
0x2e: {  	s14 =	sadd.s32 $0x40, s14;
	v0 =	vld.msk [tilespmem:s15+$0x100 ss:$0x1], $0xffff  }
0x2f: {  	_ =	sdelay $0x3  }
0x30: {  	vm2 =	vgt.s32 v0, $0x0  }
0x31: {  	v0 =	vnsel vm2, $0x0, v0  }
0x32: {  	v0 =	vmin.u32 v0, $0x1FFF  }
0x33: {  	v0 =	vshll.u32 v0, $0x4;
	_ =	sdelay $0x3  }
0x34: {  	s13 =	sadd.s32 $0x800, s13  }
0x35: {  	[tilespmem:s13], [sflag:$0x1] =	stream.indirect_vreg.gather [hbm:s3], $0x80, v0, vm0, $0x38;
	[tilespmem:$0x10200] =	vst v63  }
0x36: {  	s13 =	sadd.s32 $0x400, s13  }
0x37: {  	[tilespmem:s13], [sflag:$0x1] =	stream.indirect_vreg.gather [hbm:s3], $0x80, v0, vm1, $0x38;
	[tilespmem:$0x10200] =	vst v63  }
0x38: {  	s12 =	sshll.u32 s12, $0x4;
	s14 =	simm.s32 $0x80;
	_ =	swait.ge [sflag:s4], $0x8000  }
0x39: {  	s15 =	simm.s32 $0x8600;
	s12 =	sadd.s32 s12, s7;
	[sflag:s4] =	ssyncset.done $0x0  }
0x3a: {  	s16 =	sadd.s32 $0x0, s12;
	s13 =	simm.s32 $0x8200;
	[sflag:s4] =	ssyncadd.s32 $0xFFFF8000  }
.LBB2_7:
0x3b: {  	[hbm:s16] =	stream.linear.scatter [tilespmem:s13], [sflag:$0x3], $0x400, $0x38;
	[tilespmem:$0x10200] =	vst v63  }
0x3c: {  	s16 =	smov.u32 s14;
	s13 =	smov.u32 s15;
	p0 =	sne.s32 s14, $0xF80  }
.Ltmp5:
0x3d: {  	s14 =	sadd.s32 $0x80, s14;
	(pc) =	sbr.rel @p0 .LBB2_7-.Ltmp5, $2  }
0x3e: {  	_ =	sdelay $0x2  }
0x3f: {  	s15 =	sadd.s32 $0x400, s15;
	s16 =	sadd.s32 s16, s12  }
.Ltmp6:
0x40: {  	(pc) =	sbr.rel .LBB2_9-.Ltmp6, $2  }
0x41: {  	_ =	sdelay $0x2  }
0x42: {  	[hbm:s16] =	stream.linear.scatter [tilespmem:s13], [sflag:$0x3], $0x400, $0x38;
	[tilespmem:$0x10200] =	vst v63  }
.LBB2_2:
.Ltmp7:
0x43: {  	(pc) =	sbr.rel .LBB2_10-.Ltmp7, $4  }
0x44: {  	_ = 	snop  }
0x45: {  	s12 =	sshrl.u32 s11, $0x3  }
0x46: {  	s13 =	sand.u32 $0x7, s11;
	s12 =	sadd.s32 s2, s12  }
0x47: {  	[tilespmem:s9], [sflag:$0x2] =	stream.linear.gather [hbm4b:s12+s13], $0x100, $0x38;
	[tilespmem:$0x10200] =	vst v63  }
.LBB2_11:
0x48: {  	s2 =	simm.s32 $0x3  }
0x49: {  	_ =	swait.ge [sflag:s2], $0x8000  }
0x4a: {  	[sflag:s2] =	ssyncset.done $0x0  }
0x4b: {  	[sflag:s2] =	ssyncadd.s32 $0xFFFF8000  }
0x4c: {  	_ =	sfence.sel $0x180000  }
0x4d: {  	s3 =	simm.s32 $0x2;
	[bflag:$0x0] =	sbarrier.arrive $0xFFFF  }
0x4e: {  	[sflag:s3] =	ssyncpa.u1 $0x1  }
0x4f: {  	s31 =	simm.s32 $0x1;
	[sflag:s2] =	ssyncpa.u1 $0x1  }
0x50: {  	[sflag:s31] =	ssyncpa.u1 $0x1  }
0x51: {  	p0 =	sne.s32 s1, $0x0;
	_ =	strace $0x9000004A  }
0x52: {  	s0 =	sadd.s32 @!p0 $0x100000, s0;
	[bflag:$0x2] =	sbarrier.arrive $0xFFFF  }
0x53: {  	[sflag:s0] =	ssyncadd.tile.s32 @!p0 $0x1;
	_ =	shalt  }
.Lfunc_end2:
_tile_overlayer_lowered:
.L_overlay_start_2:
0x54: {  	(tag) =	ssettag $0x2  }
0x55: {  	s0 =	rddreg [dreg:$0x0];
	s2 =	stileid.u32  }
0x56: {  	s1 =	rddreg [dreg:$0x1];
	p0 =	sne.s32 s2, $0x0  }
0x57: {  	s3 =	rddreg [dreg:$0x2];
	[bflag:$0x3] =	sbarrier.arrive $0xFFFF;
	s2 =	simm.s32 @!p0 $0x1C01  }
0x58: {  	[timem:s3], [sflag:s2] =	dma.local @!p0 [hbm:s0], s1  }
0x59: {  	s0 =	simm.s32 @!p0 $0x1  }
0x5a: {  	_ =	swait.ge @!p0 [sflag:s0], s1  }
0x5b: {  	s1 =	ssub.s32 @!p0 $0x0, s1;
	[sflag:s0] =	ssyncset.done @!p0 $0x0  }
0x5c: {  	[sflag:s0] =	ssyncadd.s32 @!p0 s1  }
0x5d: {  	[bflag:$0x3] =	sbarrier.arrive $0xFFFF  }
0x5e: {  	_ =	shalt  }

// kernel: gather_offload_async_start.2
scs
__scs_entry_jumppad:
0x0: {  	(pc) =	sbr.rel $0x88, $3  }
0x1: {  	(tag) =	ssettag $0x0;
	lr =	simm.s32 $0x1  }
0x2: {  	[smem:$0x3F9C] =	sst lr;
	_ =	strace $0xD0000000  }
0x3: {  	_ = 	snop  }
0x4: {  	_ = 	snop  }
0x5: {  	_ = 	snop  }
0x6: {  	_ = 	snop  }
0x7: {  	_ = 	snop  }
__scs_overlays_trampoline_lowered:
0x8: {  	[smem:$0x3FAB] =	sst s0  }
0x9: {  	[smem:$0x3FAC] =	sst s1  }
0xa: {  	[smem:$0x3FAD] =	sst s2  }
0xb: {  	[smem:$0x3FAE] =	sst s3  }
0xc: {  	[smem:$0x3FAF] =	sst s4  }
0xd: {  	[smem:$0x3FB0] =	sst s5  }
0xe: {  	[smem:$0x3FB1] =	sst s6  }
0xf: {  	[smem:$0x3FB2] =	sst s7  }
0x10: {  	[smem:$0x3FB3] =	sst s8  }
0x11: {  	[smem:$0x3FB4] =	sst s9;
	s0 =	simm.s32 @!p0 $0x0  }
0x12: {  	s1 =	sld [smem:$0x3F9A];
	s0 =	simm.s32 @p0 $0x1  }
0x13: {  	[smem:$0x3FB5] =	sst s0;
	s0 =	simm.s32 @!p1 $0x0  }
0x14: {  	s2 =	sld [smem:$0x3F99];
	s0 =	simm.s32 @p1 $0x1  }
0x15: {  	[smem:$0x3FB6] =	sst s0;
	s0 =	simm.s32 @!p2 $0x0  }
0x16: {  	s3 =	sld [smem:$0x3FDB];
	s0 =	simm.s32 @p2 $0x1  }
0x17: {  	s4 =	simm.s32 $0x1BF5;
	[smem:$0x3FB8] =	sst s0  }
0x18: {  	s0 =	sld [smem:$0x3F9B];
	_ =	swait.ge [sflag:s4], $0x0  }
0x19: {  	s7 =	sld [smem:$0x3F9C]  }
0x1a: {  	s8 =	sadd.s32 $0xFFFFE003, lr  }
0x1b: {  	s9 =	sadd.s32 $0xFFFFFEF7, lr;
	s5 =	simm.s32 $0xFFFFFFFF;
	p2 =	slt.u32 s8, $0xFFFFF086  }
0x1c: {  	p1 =	slt.u32 s9, $0xF7A;
	s5 =	simm.s32 @!p2 $0x0  }
0x1d: {  	s5 =	simm.s32 @p1 $0x1;
	p0 =	seq.s32 s7, s2  }
0x1e: {  	s7 =	smul.u32 @!p0 $0xF7A, s2;
	p2 =	seq.s32 @!p0 s5, $0x0  }
0x1f: {  	s9 =	smul.u32 $0xF7A, s1;
	s8 =	simm.s32 @!p0 $0x1BF5;
	p2 =	por !p2, p0  }
0x20: {  	[sflag:s8] =	ssyncset.s32 @!p0 $0xFFFFF086;
	s6 =	sadd.s32 @!p0 s3, s7;
	s7 =	simm.s32 @!p0 $0x108  }
0x21: {  	s3 =	sadd.s32 s3, s9;
	s6 =	sadd.s32 @!p0 $0x88, s6;
	s7 =	simm.s32 @p2 $0x1082  }
0x22: {  	[simem:s7], [sflag:s8] =	dma.local @!p0 [hbm:s6], $0xF7A  }
0x23: {  	s9 =	sor.u32 $0xD0000000, s2;
	s6 =	simm.s32 $0x108;
	_ =	swait.ge @!p0 [sflag:s8], $0x0  }
0x24: {  	s3 =	sadd.s32 $0x88, s3;
	s6 =	simm.s32 @!p1 $0x1082;
	[sflag:s4] =	ssyncset.s32 $0xFFFFF086  }
0x25: {  	[simem:s6], [sflag:s4] =	dma.local [hbm:s3], $0xF7A  }
0x26: {  	[smem:$0x3F9C] =	sst s1;
	(tag) =	ssettag s2;
	_ =	strace s9  }
0x27: {  	s1 =	sld [smem:$0x3FAC]  }
0x28: {  	s2 =	sld [smem:$0x3FAD]  }
0x29: {  	s4 =	sld [smem:$0x3FAF]  }
0x2a: {  	p0 =	seq.s32 s5, $0x0;
	s5 =	sld [smem:$0x3FB0]  }
0x2b: {  	s6 =	sld [smem:$0x3FB1]  }
0x2c: {  	s7 =	sld [smem:$0x3FB2]  }
0x2d: {  	s3 =	simm.s32 $0x108;
	s8 =	sld [smem:$0x3FB3]  }
0x2e: {  	s3 =	simm.s32 @!p0 $0x1082;
	s9 =	sld [smem:$0x3FB4]  }
0x2f: {  	lr =	sadd.s32 s0, s3;
	s0 =	sld [smem:$0x3FAB]  }
0x30: {  	s3 =	sld [smem:$0x3FAE]  }
0x31: {  	[smem:$0x3FB7] =	sst s10  }
0x32: {  	s10 =	sld [smem:$0x3FB5];
	_ =	sdelay $0x3  }
0x33: {  	p0 =	seq.s32 s10, $0x1;
	s10 =	sld [smem:$0x3FB7];
	_ =	sdelay $0x3  }
0x34: {  	[smem:$0x3FB7] =	sst s10  }
0x35: {  	s10 =	sld [smem:$0x3FB6];
	_ =	sdelay $0x3  }
0x36: {  	p1 =	seq.s32 s10, $0x1;
	s10 =	sld [smem:$0x3FB7];
	_ =	sdelay $0x3  }
0x37: {  	[smem:$0x3FB7] =	sst s10  }
0x38: {  	s10 =	sld [smem:$0x3FB8]  }
0x39: {  	_ = 	snop;
	(pc) =	sbr.ind lr, $3  }
0x3a: {  	_ = 	snop  }
0x3b: {  	_ = 	snop  }
0x3c: {  	p2 =	seq.s32 s10, $0x1;
	s10 =	sld [smem:$0x3FB7]  }
0x3d: {  	_ =	shalt  }
0x3e: {  	_ =	shalt  }
0x3f: {  	_ =	shalt  }
0x40: {  	_ =	shalt  }
0x41: {  	_ =	shalt  }
0x42: {  	_ =	shalt  }
0x43: {  	_ =	shalt  }
0x44: {  	_ =	shalt  }
0x45: {  	_ =	shalt  }
0x46: {  	_ =	shalt  }
0x47: {  	_ =	shalt  }
0x48: {  	_ =	shalt  }
0x49: {  	_ =	shalt  }
0x4a: {  	_ =	shalt  }
0x4b: {  	_ =	shalt  }
0x4c: {  	_ =	shalt  }
0x4d: {  	_ =	shalt  }
0x4e: {  	_ =	shalt  }
0x4f: {  	_ =	shalt  }
0x50: {  	_ =	shalt  }
0x51: {  	_ =	shalt  }
0x52: {  	_ =	shalt  }
0x53: {  	_ =	shalt  }
0x54: {  	_ =	shalt  }
0x55: {  	_ =	shalt  }
0x56: {  	_ =	shalt  }
0x57: {  	_ =	shalt  }
0x58: {  	_ =	shalt  }
0x59: {  	_ =	shalt  }
0x5a: {  	_ =	shalt  }
0x5b: {  	_ =	shalt  }
0x5c: {  	_ =	shalt  }
0x5d: {  	_ =	shalt  }
0x5e: {  	_ =	shalt  }
0x5f: {  	_ =	shalt  }
0x60: {  	_ =	shalt  }
0x61: {  	_ =	shalt  }
0x62: {  	_ =	shalt  }
0x63: {  	_ =	shalt  }
0x64: {  	_ =	shalt  }
0x65: {  	_ =	shalt  }
0x66: {  	_ =	shalt  }
0x67: {  	_ =	shalt  }
0x68: {  	_ =	shalt  }
0x69: {  	_ =	shalt  }
0x6a: {  	_ =	shalt  }
0x6b: {  	_ =	shalt  }
0x6c: {  	_ =	shalt  }
0x6d: {  	_ =	shalt  }
0x6e: {  	_ =	shalt  }
0x6f: {  	_ =	shalt  }
0x70: {  	_ =	shalt  }
0x71: {  	_ =	shalt  }
0x72: {  	_ =	shalt  }
0x73: {  	_ =	shalt  }
0x74: {  	_ =	shalt  }
0x75: {  	_ =	shalt  }
0x76: {  	_ =	shalt  }
0x77: {  	_ =	shalt  }
0x78: {  	_ =	shalt  }
0x79: {  	_ =	shalt  }
0x7a: {  	_ =	shalt  }
0x7b: {  	_ =	shalt  }
0x7c: {  	_ =	shalt  }
0x7d: {  	_ =	shalt  }
0x7e: {  	_ =	shalt  }
0x7f: {  	_ =	shalt  }
0x80: {  	_ =	shalt  }
0x81: {  	_ =	shalt  }
0x82: {  	_ =	shalt  }
0x83: {  	_ =	shalt  }
0x84: {  	_ =	shalt  }
0x85: {  	_ =	shalt  }
0x86: {  	_ =	shalt  }
0x87: {  	_ =	shalt  }
.Lfunc_end0:
.L_simem_size_0:
called_computation.2_lowered:
.L_overlay_start_0:
0x88: {  	s2 =	sld [smem:$0x3FD9]  }
0x89: {  	s3 =	sld [smem:$0x3FFE];
	_ =	sdelay $0x1  }
0x8a: {  	s1 =	srdreg.scid  }
0x8b: {  	s0 =	sand.u32 $0x1, s1  }
0x8c: {  	s16 =	sshll.u32 s0, $0xA;
	s2 =	sadd.s32 s3, s2  }
0x8d: {  	s2 =	sadd.s32 s2, s16  }
0x8e: {  	[smem:$0x3FC3] =	sst s2  }
0x8f: {  	_ = 	snop  }
0x90: {  	(tm) =	ssettm $0x1  }
0x91: {  	s17 =	sld [smem:$0x3FFB];
	_ =	sdelay $0x3  }
0x92: {  	_ =	strace s17  }
0x93: {  	s2 =	sld [smem:$0x3FFC];
	_ =	sdelay $0x3  }
0x94: {  	_ =	strace s2  }
0x95: {  	s2 =	sld [smem:$0x3FFD];
	_ =	sdelay $0x3  }
0x96: {  	_ =	strace s2  }
0x97: {  	_ =	strace $0x8FFFFFFF  }
0x98: {  	s18 =	sld [smem:$0x3FDB];
	_ =	sdelay $0x1  }
0x99: {  	s19 =	simm.s32 $_scs_section_size  }
0x9a: {  	s4 =	simm.s32 $_size__tile_overlayer_lowered;
	s5 =	simm.s32 $_tile_overlayer_lowered  }
0x9b: {  	s22 =	simm.s32 $0x1BFF;
	s21 =	sshll.u32 s5, $0x1;
	s2 =	sadd.s32 s19, s18  }
0x9c: {  	s6 =	simm.s32 $0x0;
	s20 =	sshll.u32 s4, $0x1;
	s4 =	sadd.s32 s21, s2  }
0x9d: {  	[timem:s6], [sflag:s22] =	dma.local [hbm:s4], s20  }
0x9e: {  	_ =	swait.ge [sflag:s22], s20  }
0x9f: {  	s3 =	ssub.s32 $0x0, s20;
	[sflag:s22] =	ssyncset.done $0x0  }
0xa0: {  	[sflag:s22] =	ssyncadd.s32 s3;
	_ =	sdelay $0x1  }
0xa1: {  	s23 =	simm.s32 $0x1B8B  }
0xa2: {  	_ =	swait.ge [sflag:s23], $0x1  }
0xa3: {  	[sflag:s23] =	ssyncset.done $0x0  }
0xa4: {  	s25 =	simm.s32 $0x1B8E;
	s24 =	sld [smem:$0x3FFE];
	[sflag:s23] =	ssyncadd.s32 $0xFFFFFFFF  }
0xa5: {  	s26 =	simm.s32 $execute0_lowered;
	[smem:$0x3FD2] =	sst s25  }
0xa6: {  	s4 =	sshll.u32 s26, $0x1;
	_ =	strace $0x8000004C;
	[dreg:$0x1] =	wrdreg $0xFFFFFFFF  }
0xa7: {  	s28 =	simm.s32 $_size_execute0_lowered;
	s2 =	sadd.s32 s2, s4;
	[dreg:$0x0] =	wrdreg $0x0  }
0xa8: {  	s4 =	sshll.u32 s28, $0x1;
	[dreg:$0x2] =	wrdreg s2  }
0xa9: {  	[dreg:$0x3] =	wrdreg s4  }
0xaa: {  	[dreg:$0x4] =	wrdreg $0xC0  }
0xab: {  	_ =	task [dreg:s6], $0x5FFFF  }
0xac: {  	[dreg:$0x1] =	wrdreg $0xFFFFFFFF  }
0xad: {  	[dreg:$0x0] =	wrdreg $0x60  }
0xae: {  	[dreg:$0x2] =	wrdreg s24  }
0xaf: {  	[dreg:$0x3] =	wrdreg $0x9  }
0xb0: {  	_ =	task.clear_ibuf [dreg:s6], $0x4FFFF;
	_ =	strace $0x9000004C  }
0xb1: {  	s29 =	simm.s32 $0x9;
	_ =	strace $0x8000004E  }
0xb2: {  	_ =	swait.ge [sflag:s29], $0x1  }
0xb3: {  	[sflag:s29] =	ssyncadd.s32 $0xFFFFFFFF  }
0xb4: {  	_ =	strace $0x9000004E  }
0xb5: {  	_ =	sfence  }
0xb6: {  	s30 =	sld [smem:$0x0];
	_ =	sdelay $0x2  }
0xb7: {  	s31 =	sshll.u32 s1, $0xD;
	s1 =	sshrl.u32 s1, $0x2  }
0xb8: {  	s3 =	sand.u32 $0x4000, s31;
	s1 =	sadd.s32 s1, s30  }
0xb9: {  	s0 =	sor.u32 s3, s0;
	s1 =	sshll.u32 s1, $0x11  }
0xba: {  	s0 =	sor.u32 s1, s0  }
0xbb: {  	s0 =	sadd.s32 $0x8F2B, s0  }
0xbc: {  	[sflag:s0] =	ssyncadd.remote.s32 $0x1  }
0xbd: {  	_ =	sfence.sel $0xFFFF  }
0xbe: {  	[dreg:$0x0] =	wrdreg $0xFFFFFFFF;
	(pc) =	sbr.abs _section_cstart, $3  }
0xbf: {  	[dreg:$0x1] =	wrdreg $0xFFFFFFFF  }
0xc0: {  	_ =	task.clear_ibuf [dreg:s6], $0x2FFFF;
	_ =	strace $0x9FFFFFFF  }
0xc1: {  	(tm) =	ssettm $0x7FFFFFFF  }
tec
execute0_lowered:
.L_overlay_start_1:
0x0: {  	(tag) =	ssettag $0x1  }
0x1: {  	s7 =	rddreg [dreg:$0x0]  }
0x2: {  	s0 =	rddreg [dreg:$0x1];
	_ =	strace $0x8000004D  }
0x3: {  	s1 =	srdreg.scid;
	s4 =	simm.s32 $0x1;
	s9 =	simm.s32 $0x3  }
0x4: {  	s12 =	simm.s32 $0x0;
	s10 =	simm.s32 $0x0;
	s5 =	sshll.u32 s1, $0x4  }
.Ltmp0:
0x5: {  	s1 =	stileid.u32;
	s5 =	sand.u32 $0x10, s5;
	(pc) =	sbr.rel .LBB2_1-.Ltmp0, $4  }
0x6: {  	s2 =	sadd.s32 $0x40800, s7;
	s3 =	sadd.s32 $0x400, s7;
	s6 =	sor.u32 s1, s5  }
0x7: {  	[sflag:s4] =	ssyncpa.u1 $0x0;
	s5 =	simm.s32 $0x2;
	s6 =	sshll.u32 s6, $0x8  }
0x8: {  	s7 =	sadd.s32 $0x20800, s7;
	[sflag:s5] =	ssyncpa.u1 $0x0;
	s8 =	sadd.s32 $0x100, s6  }
0x9: {  	vm0 =	vmmov $0xff;
	vm1 =	vcmask $0x3F20;
	[sflag:s9] =	ssyncpa.u1 $0x0;
	s9 =	simm.s32 $0x100;
	s11 =	smov.u32 s6  }
.LBB2_9:
0xa: {  	p0 =	seq.s32 s10, $0x2  }
.Ltmp1:
0xb: {  	_ = 	snop;
	(pc) =	sbr.rel @p0 .LBB2_11-.Ltmp1, $1  }
0xc: {  	_ =	sdelay $0x3  }
.LBB2_10:
0xd: {  	s12 =	sadd.s32 $0x100, s11  }
0xe: {  	s13 =	smov.u32 s6;
	p0 =	slt.s32 s12, s8  }
0xf: {  	s13 =	smov.u32 @p0 s12  }
0x10: {  	s10 =	sadd.s32 $0x1, s10;
	s12 =	smov.u32 s11;
	s11 =	smov.u32 s13  }
.LBB2_1:
0x11: {  	p0 =	sne.s32 s10, $0x0  }
.Ltmp2:
0x12: {  	_ = 	snop;
	(pc) =	sbr.rel @!p0 .LBB2_2-.Ltmp2, $1  }
0x13: {  	_ =	sdelay $0x3  }
0x14: {  	s13 =	sand.u32 $0x1, s10  }
0x15: {  	p0 =	seq.s32 s13, $0x0  }
.Ltmp3:
0x16: {  	_ = 	snop;
	(pc) =	sbr.rel @p0 .LBB2_9-.Ltmp3, $1  }
0x17: {  	_ =	sdelay $0x3  }
0x18: {  	_ =	swait.ge [sflag:s5], $0x100  }
0x19: {  	[sflag:s5] =	ssyncset.done $0x0  }
0x1a: {  	s13 =	simm.s32 $0x0;
	[sflag:s5] =	ssyncadd.s32 $0xFFFFFF00  }
0x1b: {  	v0 =	vld.msk [tilespmem:s13+$0x100 ss:$0x1], $0xffff;
	_ =	sdelay $0x4  }
0x1c: {  	vm2 =	vgt.s32 v0, $0x0  }
0x1d: {  	v0 =	vnsel vm2, $0x0, v0  }
0x1e: {  	v0 =	vmin.u32 v0, $0x1FFF  }
0x1f: {  	v0 =	vshll.u32 v0, $0x4;
	_ =	sdelay $0x3  }
0x20: {  	s13 =	simm.s32 $0x8200  }
0x21: {  	[tilespmem:s13], [sflag:$0x1] =	stream.indirect_vreg.gather [hbm:s2], $0x80, v0, vm0, $0x38;
	[tilespmem:$0x10200] =	vst v63  }
0x22: {  	s14 =	simm.s32 $0x8600;
	s31 =	simm.s32 $0x10  }
0x23: {  	[tilespmem:s14], [sflag:$0x1] =	stream.indirect_vreg.gather [hbm:s2], $0x80, v0, vm1, $0x38;
	[tilespmem:$0x10200] =	vst v63  }
0x24: {  	s14 =	simm.s32 $0x80;
	v0 =	vld.msk [tilespmem:s31+$0x100 ss:$0x1], $0xffff  }
.LBB2_5:
0x25: {  	p0 =	sne.s32 s14, $0x3C0;
	_ =	sdelay $0x4  }
0x26: {  	vm2 =	vgt.s32 v0, $0x0  }
0x27: {  	v0 =	vnsel vm2, $0x0, v0  }
0x28: {  	v0 =	vmin.u32 v0, $0x1FFF  }
0x29: {  	v0 =	vshll.u32 v0, $0x4;
	_ =	sdelay $0x3  }
.Ltmp4:
0x2a: {  	s13 =	sadd.s32 $0x800, s13;
	(pc) =	sbr.rel @p0 .LBB2_5-.Ltmp4, $4  }
0x2b: {  	[tilespmem:s13], [sflag:$0x1] =	stream.indirect_vreg.gather [hbm:s2], $0x80, v0, vm0, $0x38;
	[tilespmem:$0x10200] =	vst v63  }
0x2c: {  	s15 =	sshra.s32 s14, $0x2;
	s16 =	sadd.s32 $0x400, s13  }
0x2d: {  	[tilespmem:s16], [sflag:$0x1] =	stream.indirect_vreg.gather [hbm:s2], $0x80, v0, vm1, $0x38;
	[tilespmem:$0x10200] =	vst v63  }
0x2e: {  	s14 =	sadd.s32 $0x40, s14;
	v0 =	vld.msk [tilespmem:s15+$0x100 ss:$0x1], $0xffff  }
0x2f: {  	_ =	sdelay $0x3  }
0x30: {  	vm2 =	vgt.s32 v0, $0x0  }
0x31: {  	v0 =	vnsel vm2, $0x0, v0  }
0x32: {  	v0 =	vmin.u32 v0, $0x1FFF  }
0x33: {  	v0 =	vshll.u32 v0, $0x4;
	_ =	sdelay $0x3  }
0x34: {  	s13 =	sadd.s32 $0x800, s13  }
0x35: {  	[tilespmem:s13], [sflag:$0x1] =	stream.indirect_vreg.gather [hbm:s2], $0x80, v0, vm0, $0x38;
	[tilespmem:$0x10200] =	vst v63  }
0x36: {  	s13 =	sadd.s32 $0x400, s13  }
0x37: {  	[tilespmem:s13], [sflag:$0x1] =	stream.indirect_vreg.gather [hbm:s2], $0x80, v0, vm1, $0x38;
	[tilespmem:$0x10200] =	vst v63  }
0x38: {  	s12 =	sshll.u32 s12, $0x4;
	s14 =	simm.s32 $0x80;
	_ =	swait.ge [sflag:s4], $0x8000  }
0x39: {  	s15 =	simm.s32 $0x8600;
	s12 =	sadd.s32 s12, s7;
	[sflag:s4] =	ssyncset.done $0x0  }
0x3a: {  	s16 =	sadd.s32 $0x0, s12;
	s13 =	simm.s32 $0x8200;
	[sflag:s4] =	ssyncadd.s32 $0xFFFF8000  }
.LBB2_7:
0x3b: {  	[hbm:s16] =	stream.linear.scatter [tilespmem:s13], [sflag:$0x3], $0x400, $0x38;
	[tilespmem:$0x10200] =	vst v63  }
0x3c: {  	s16 =	smov.u32 s14;
	s13 =	smov.u32 s15;
	p0 =	sne.s32 s14, $0xF80  }
.Ltmp5:
0x3d: {  	s14 =	sadd.s32 $0x80, s14;
	(pc) =	sbr.rel @p0 .LBB2_7-.Ltmp5, $2  }
0x3e: {  	_ =	sdelay $0x2  }
0x3f: {  	s15 =	sadd.s32 $0x400, s15;
	s16 =	sadd.s32 s16, s12  }
.Ltmp6:
0x40: {  	(pc) =	sbr.rel .LBB2_9-.Ltmp6, $2  }
0x41: {  	_ =	sdelay $0x2  }
0x42: {  	[hbm:s16] =	stream.linear.scatter [tilespmem:s13], [sflag:$0x3], $0x400, $0x38;
	[tilespmem:$0x10200] =	vst v63  }
.LBB2_2:
.Ltmp7:
0x43: {  	(pc) =	sbr.rel .LBB2_10-.Ltmp7, $4  }
0x44: {  	_ = 	snop  }
0x45: {  	s12 =	sshrl.u32 s11, $0x3  }
0x46: {  	s13 =	sand.u32 $0x7, s11;
	s12 =	sadd.s32 s3, s12  }
0x47: {  	[tilespmem:s9], [sflag:$0x2] =	stream.linear.gather [hbm4b:s12+s13], $0x100, $0x38;
	[tilespmem:$0x10200] =	vst v63  }
.LBB2_11:
0x48: {  	s2 =	simm.s32 $0x3  }
0x49: {  	_ =	swait.ge [sflag:s2], $0x8000  }
0x4a: {  	[sflag:s2] =	ssyncset.done $0x0  }
0x4b: {  	[sflag:s2] =	ssyncadd.s32 $0xFFFF8000  }
0x4c: {  	_ =	sfence.sel $0x180000  }
0x4d: {  	s3 =	simm.s32 $0x2;
	[bflag:$0x0] =	sbarrier.arrive $0xFFFF  }
0x4e: {  	[sflag:s3] =	ssyncpa.u1 $0x1  }
0x4f: {  	s31 =	simm.s32 $0x1;
	[sflag:s2] =	ssyncpa.u1 $0x1  }
0x50: {  	[sflag:s31] =	ssyncpa.u1 $0x1  }
0x51: {  	p0 =	sne.s32 s1, $0x0;
	_ =	strace $0x9000004D  }
0x52: {  	s0 =	sadd.s32 @!p0 $0x100000, s0;
	[bflag:$0x2] =	sbarrier.arrive $0xFFFF  }
0x53: {  	[sflag:s0] =	ssyncadd.tile.s32 @!p0 $0x1;
	_ =	shalt  }
.Lfunc_end2:
_tile_overlayer_lowered:
.L_overlay_start_2:
0x54: {  	(tag) =	ssettag $0x2  }
0x55: {  	s0 =	rddreg [dreg:$0x0];
	s2 =	stileid.u32  }
0x56: {  	s1 =	rddreg [dreg:$0x1];
	p0 =	sne.s32 s2, $0x0  }
0x57: {  	s3 =	rddreg [dreg:$0x2];
	[bflag:$0x3] =	sbarrier.arrive $0xFFFF;
	s2 =	simm.s32 @!p0 $0x1C01  }
0x58: {  	[timem:s3], [sflag:s2] =	dma.local @!p0 [hbm:s0], s1  }
0x59: {  	s0 =	simm.s32 @!p0 $0x1  }
0x5a: {  	_ =	swait.ge @!p0 [sflag:s0], s1  }
0x5b: {  	s1 =	ssub.s32 @!p0 $0x0, s1;
	[sflag:s0] =	ssyncset.done @!p0 $0x0  }
0x5c: {  	[sflag:s0] =	ssyncadd.s32 @!p0 s1  }
0x5d: {  	[bflag:$0x3] =	sbarrier.arrive $0xFFFF  }
0x5e: {  	_ =	shalt  }

// kernel: gather_offload_async_start
scs
__scs_entry_jumppad:
0x0: {  	(pc) =	sbr.rel $0x88, $3  }
0x1: {  	(tag) =	ssettag $0x0;
	lr =	simm.s32 $0x1  }
0x2: {  	[smem:$0x3F9C] =	sst lr;
	_ =	strace $0xD0000000  }
0x3: {  	_ = 	snop  }
0x4: {  	_ = 	snop  }
0x5: {  	_ = 	snop  }
0x6: {  	_ = 	snop  }
0x7: {  	_ = 	snop  }
__scs_overlays_trampoline_lowered:
0x8: {  	[smem:$0x3FAB] =	sst s0  }
0x9: {  	[smem:$0x3FAC] =	sst s1  }
0xa: {  	[smem:$0x3FAD] =	sst s2  }
0xb: {  	[smem:$0x3FAE] =	sst s3  }
0xc: {  	[smem:$0x3FAF] =	sst s4  }
0xd: {  	[smem:$0x3FB0] =	sst s5  }
0xe: {  	[smem:$0x3FB1] =	sst s6  }
0xf: {  	[smem:$0x3FB2] =	sst s7  }
0x10: {  	[smem:$0x3FB3] =	sst s8  }
0x11: {  	[smem:$0x3FB4] =	sst s9;
	s0 =	simm.s32 @!p0 $0x0  }
0x12: {  	s1 =	sld [smem:$0x3F9A];
	s0 =	simm.s32 @p0 $0x1  }
0x13: {  	[smem:$0x3FB5] =	sst s0;
	s0 =	simm.s32 @!p1 $0x0  }
0x14: {  	s2 =	sld [smem:$0x3F99];
	s0 =	simm.s32 @p1 $0x1  }
0x15: {  	[smem:$0x3FB6] =	sst s0;
	s0 =	simm.s32 @!p2 $0x0  }
0x16: {  	s3 =	sld [smem:$0x3FDB];
	s0 =	simm.s32 @p2 $0x1  }
0x17: {  	s4 =	simm.s32 $0x1BF5;
	[smem:$0x3FB8] =	sst s0  }
0x18: {  	s0 =	sld [smem:$0x3F9B];
	_ =	swait.ge [sflag:s4], $0x0  }
0x19: {  	s7 =	sld [smem:$0x3F9C]  }
0x1a: {  	s8 =	sadd.s32 $0xFFFFE003, lr  }
0x1b: {  	s9 =	sadd.s32 $0xFFFFFEF7, lr;
	s5 =	simm.s32 $0xFFFFFFFF;
	p2 =	slt.u32 s8, $0xFFFFF086  }
0x1c: {  	p1 =	slt.u32 s9, $0xF7A;
	s5 =	simm.s32 @!p2 $0x0  }
0x1d: {  	s5 =	simm.s32 @p1 $0x1;
	p0 =	seq.s32 s7, s2  }
0x1e: {  	s7 =	smul.u32 @!p0 $0xF7A, s2;
	p2 =	seq.s32 @!p0 s5, $0x0  }
0x1f: {  	s9 =	smul.u32 $0xF7A, s1;
	s8 =	simm.s32 @!p0 $0x1BF5;
	p2 =	por !p2, p0  }
0x20: {  	[sflag:s8] =	ssyncset.s32 @!p0 $0xFFFFF086;
	s6 =	sadd.s32 @!p0 s3, s7;
	s7 =	simm.s32 @!p0 $0x108  }
0x21: {  	s3 =	sadd.s32 s3, s9;
	s6 =	sadd.s32 @!p0 $0x88, s6;
	s7 =	simm.s32 @p2 $0x1082  }
0x22: {  	[simem:s7], [sflag:s8] =	dma.local @!p0 [hbm:s6], $0xF7A  }
0x23: {  	s9 =	sor.u32 $0xD0000000, s2;
	s6 =	simm.s32 $0x108;
	_ =	swait.ge @!p0 [sflag:s8], $0x0  }
0x24: {  	s3 =	sadd.s32 $0x88, s3;
	s6 =	simm.s32 @!p1 $0x1082;
	[sflag:s4] =	ssyncset.s32 $0xFFFFF086  }
0x25: {  	[simem:s6], [sflag:s4] =	dma.local [hbm:s3], $0xF7A  }
0x26: {  	[smem:$0x3F9C] =	sst s1;
	(tag) =	ssettag s2;
	_ =	strace s9  }
0x27: {  	s1 =	sld [smem:$0x3FAC]  }
0x28: {  	s2 =	sld [smem:$0x3FAD]  }
0x29: {  	s4 =	sld [smem:$0x3FAF]  }
0x2a: {  	p0 =	seq.s32 s5, $0x0;
	s5 =	sld [smem:$0x3FB0]  }
0x2b: {  	s6 =	sld [smem:$0x3FB1]  }
0x2c: {  	s7 =	sld [smem:$0x3FB2]  }
0x2d: {  	s3 =	simm.s32 $0x108;
	s8 =	sld [smem:$0x3FB3]  }
0x2e: {  	s3 =	simm.s32 @!p0 $0x1082;
	s9 =	sld [smem:$0x3FB4]  }
0x2f: {  	lr =	sadd.s32 s0, s3;
	s0 =	sld [smem:$0x3FAB]  }
0x30: {  	s3 =	sld [smem:$0x3FAE]  }
0x31: {  	[smem:$0x3FB7] =	sst s10  }
0x32: {  	s10 =	sld [smem:$0x3FB5];
	_ =	sdelay $0x3  }
0x33: {  	p0 =	seq.s32 s10, $0x1;
	s10 =	sld [smem:$0x3FB7];
	_ =	sdelay $0x3  }
0x34: {  	[smem:$0x3FB7] =	sst s10  }
0x35: {  	s10 =	sld [smem:$0x3FB6];
	_ =	sdelay $0x3  }
0x36: {  	p1 =	seq.s32 s10, $0x1;
	s10 =	sld [smem:$0x3FB7];
	_ =	sdelay $0x3  }
0x37: {  	[smem:$0x3FB7] =	sst s10  }
0x38: {  	s10 =	sld [smem:$0x3FB8]  }
0x39: {  	_ = 	snop;
	(pc) =	sbr.ind lr, $3  }
0x3a: {  	_ = 	snop  }
0x3b: {  	_ = 	snop  }
0x3c: {  	p2 =	seq.s32 s10, $0x1;
	s10 =	sld [smem:$0x3FB7]  }
0x3d: {  	_ =	shalt  }
0x3e: {  	_ =	shalt  }
0x3f: {  	_ =	shalt  }
0x40: {  	_ =	shalt  }
0x41: {  	_ =	shalt  }
0x42: {  	_ =	shalt  }
0x43: {  	_ =	shalt  }
0x44: {  	_ =	shalt  }
0x45: {  	_ =	shalt  }
0x46: {  	_ =	shalt  }
0x47: {  	_ =	shalt  }
0x48: {  	_ =	shalt  }
0x49: {  	_ =	shalt  }
0x4a: {  	_ =	shalt  }
0x4b: {  	_ =	shalt  }
0x4c: {  	_ =	shalt  }
0x4d: {  	_ =	shalt  }
0x4e: {  	_ =	shalt  }
0x4f: {  	_ =	shalt  }
0x50: {  	_ =	shalt  }
0x51: {  	_ =	shalt  }
0x52: {  	_ =	shalt  }
0x53: {  	_ =	shalt  }
0x54: {  	_ =	shalt  }
0x55: {  	_ =	shalt  }
0x56: {  	_ =	shalt  }
0x57: {  	_ =	shalt  }
0x58: {  	_ =	shalt  }
0x59: {  	_ =	shalt  }
0x5a: {  	_ =	shalt  }
0x5b: {  	_ =	shalt  }
0x5c: {  	_ =	shalt  }
0x5d: {  	_ =	shalt  }
0x5e: {  	_ =	shalt  }
0x5f: {  	_ =	shalt  }
0x60: {  	_ =	shalt  }
0x61: {  	_ =	shalt  }
0x62: {  	_ =	shalt  }
0x63: {  	_ =	shalt  }
0x64: {  	_ =	shalt  }
0x65: {  	_ =	shalt  }
0x66: {  	_ =	shalt  }
0x67: {  	_ =	shalt  }
0x68: {  	_ =	shalt  }
0x69: {  	_ =	shalt  }
0x6a: {  	_ =	shalt  }
0x6b: {  	_ =	shalt  }
0x6c: {  	_ =	shalt  }
0x6d: {  	_ =	shalt  }
0x6e: {  	_ =	shalt  }
0x6f: {  	_ =	shalt  }
0x70: {  	_ =	shalt  }
0x71: {  	_ =	shalt  }
0x72: {  	_ =	shalt  }
0x73: {  	_ =	shalt  }
0x74: {  	_ =	shalt  }
0x75: {  	_ =	shalt  }
0x76: {  	_ =	shalt  }
0x77: {  	_ =	shalt  }
0x78: {  	_ =	shalt  }
0x79: {  	_ =	shalt  }
0x7a: {  	_ =	shalt  }
0x7b: {  	_ =	shalt  }
0x7c: {  	_ =	shalt  }
0x7d: {  	_ =	shalt  }
0x7e: {  	_ =	shalt  }
0x7f: {  	_ =	shalt  }
0x80: {  	_ =	shalt  }
0x81: {  	_ =	shalt  }
0x82: {  	_ =	shalt  }
0x83: {  	_ =	shalt  }
0x84: {  	_ =	shalt  }
0x85: {  	_ =	shalt  }
0x86: {  	_ =	shalt  }
0x87: {  	_ =	shalt  }
.Lfunc_end0:
.L_simem_size_0:
called_computation_lowered:
.L_overlay_start_0:
0x88: {  	s2 =	sld [smem:$0x3FD9]  }
0x89: {  	s3 =	sld [smem:$0x3FFE];
	_ =	sdelay $0x1  }
0x8a: {  	s1 =	srdreg.scid  }
0x8b: {  	s0 =	sand.u32 $0x1, s1  }
0x8c: {  	s16 =	sshll.u32 s0, $0xA;
	s2 =	sadd.s32 s3, s2  }
0x8d: {  	s2 =	sadd.s32 s2, s16  }
0x8e: {  	[smem:$0x3FC3] =	sst s2  }
0x8f: {  	_ = 	snop  }
0x90: {  	(tm) =	ssettm $0x1  }
0x91: {  	s17 =	sld [smem:$0x3FFB];
	_ =	sdelay $0x3  }
0x92: {  	_ =	strace s17  }
0x93: {  	s2 =	sld [smem:$0x3FFC];
	_ =	sdelay $0x3  }
0x94: {  	_ =	strace s2  }
0x95: {  	s2 =	sld [smem:$0x3FFD];
	_ =	sdelay $0x3  }
0x96: {  	_ =	strace s2  }
0x97: {  	_ =	strace $0x8FFFFFFF  }
0x98: {  	s18 =	sld [smem:$0x3FDB];
	_ =	sdelay $0x1  }
0x99: {  	s19 =	simm.s32 $_scs_section_size  }
0x9a: {  	s4 =	simm.s32 $_size__tile_overlayer_lowered;
	s5 =	simm.s32 $_tile_overlayer_lowered  }
0x9b: {  	s22 =	simm.s32 $0x1BFF;
	s21 =	sshll.u32 s5, $0x1;
	s2 =	sadd.s32 s19, s18  }
0x9c: {  	s6 =	simm.s32 $0x0;
	s20 =	sshll.u32 s4, $0x1;
	s4 =	sadd.s32 s21, s2  }
0x9d: {  	[timem:s6], [sflag:s22] =	dma.local [hbm:s4], s20  }
0x9e: {  	_ =	swait.ge [sflag:s22], s20  }
0x9f: {  	s3 =	ssub.s32 $0x0, s20;
	[sflag:s22] =	ssyncset.done $0x0  }
0xa0: {  	[sflag:s22] =	ssyncadd.s32 s3;
	_ =	sdelay $0x1  }
0xa1: {  	s23 =	simm.s32 $0x1B8B  }
0xa2: {  	_ =	swait.ge [sflag:s23], $0x1  }
0xa3: {  	[sflag:s23] =	ssyncset.done $0x0  }
0xa4: {  	s25 =	simm.s32 $0x1B8E;
	s24 =	sld [smem:$0x3FFE];
	[sflag:s23] =	ssyncadd.s32 $0xFFFFFFFF  }
0xa5: {  	s26 =	simm.s32 $execute0_lowered;
	[smem:$0x3FD2] =	sst s25  }
0xa6: {  	s4 =	sshll.u32 s26, $0x1;
	_ =	strace $0x80000046;
	[dreg:$0x1] =	wrdreg $0xFFFFFFFF  }
0xa7: {  	s28 =	simm.s32 $_size_execute0_lowered;
	s2 =	sadd.s32 s2, s4;
	[dreg:$0x0] =	wrdreg $0x0  }
0xa8: {  	s4 =	sshll.u32 s28, $0x1;
	[dreg:$0x2] =	wrdreg s2  }
0xa9: {  	[dreg:$0x3] =	wrdreg s4  }
0xaa: {  	[dreg:$0x4] =	wrdreg $0xC0  }
0xab: {  	_ =	task [dreg:s6], $0x5FFFF  }
0xac: {  	[dreg:$0x1] =	wrdreg $0xFFFFFFFF  }
0xad: {  	[dreg:$0x0] =	wrdreg $0x60  }
0xae: {  	[dreg:$0x2] =	wrdreg s24  }
0xaf: {  	[dreg:$0x3] =	wrdreg $0x9  }
0xb0: {  	_ =	task.clear_ibuf [dreg:s6], $0x4FFFF;
	_ =	strace $0x90000046  }
0xb1: {  	s29 =	simm.s32 $0x9;
	_ =	strace $0x80000048  }
0xb2: {  	_ =	swait.ge [sflag:s29], $0x1  }
0xb3: {  	[sflag:s29] =	ssyncadd.s32 $0xFFFFFFFF  }
0xb4: {  	_ =	strace $0x90000048  }
0xb5: {  	_ =	sfence  }
0xb6: {  	s30 =	sld [smem:$0x0];
	_ =	sdelay $0x2  }
0xb7: {  	s31 =	sshll.u32 s1, $0xD;
	s1 =	sshrl.u32 s1, $0x2  }
0xb8: {  	s3 =	sand.u32 $0x4000, s31;
	s1 =	sadd.s32 s1, s30  }
0xb9: {  	s0 =	sor.u32 s3, s0;
	s1 =	sshll.u32 s1, $0x11  }
0xba: {  	s0 =	sor.u32 s1, s0  }
0xbb: {  	s0 =	sadd.s32 $0x8F2B, s0  }
0xbc: {  	[sflag:s0] =	ssyncadd.remote.s32 $0x1  }
0xbd: {  	_ =	sfence.sel $0xFFFF  }
0xbe: {  	[dreg:$0x0] =	wrdreg $0xFFFFFFFF;
	(pc) =	sbr.abs _section_cstart, $3  }
0xbf: {  	[dreg:$0x1] =	wrdreg $0xFFFFFFFF  }
0xc0: {  	_ =	task.clear_ibuf [dreg:s6], $0x2FFFF;
	_ =	strace $0x9FFFFFFF  }
0xc1: {  	(tm) =	ssettm $0x7FFFFFFF  }
tec
execute0_lowered:
.L_overlay_start_1:
0x0: {  	(tag) =	ssettag $0x1  }
0x1: {  	s2 =	rddreg [dreg:$0x0]  }
0x2: {  	s0 =	rddreg [dreg:$0x1]  }
0x3: {  	s1 =	srdreg.scid;
	_ =	strace $0x80000047;
	s4 =	simm.s32 $0x1  }
0x4: {  	s9 =	simm.s32 $0x3;
	s12 =	simm.s32 $0x0;
	s5 =	sshll.u32 s1, $0x4  }
.Ltmp0:
0x5: {  	s1 =	stileid.u32;
	s5 =	sand.u32 $0x10, s5;
	(pc) =	sbr.rel .LBB2_1-.Ltmp0, $4  }
0x6: {  	s10 =	simm.s32 $0x0;
	s3 =	sadd.s32 $0x20400, s2;
	s6 =	sor.u32 s1, s5  }
0x7: {  	[sflag:s4] =	ssyncpa.u1 $0x0;
	s5 =	simm.s32 $0x2;
	s6 =	sshll.u32 s6, $0x8  }
0x8: {  	s7 =	sadd.s32 $0x80800, s2;
	[sflag:s5] =	ssyncpa.u1 $0x0;
	s8 =	sadd.s32 $0x100, s6  }
0x9: {  	vm0 =	vmmov $0xff;
	vm1 =	vcmask $0x3F20;
	[sflag:s9] =	ssyncpa.u1 $0x0;
	s9 =	simm.s32 $0x100;
	s11 =	smov.u32 s6  }
.LBB2_9:
0xa: {  	p0 =	seq.s32 s10, $0x2  }
.Ltmp1:
0xb: {  	_ = 	snop;
	(pc) =	sbr.rel @p0 .LBB2_11-.Ltmp1, $1  }
0xc: {  	_ =	sdelay $0x3  }
.LBB2_10:
0xd: {  	s12 =	sadd.s32 $0x100, s11  }
0xe: {  	s13 =	smov.u32 s6;
	p0 =	slt.s32 s12, s8  }
0xf: {  	s13 =	smov.u32 @p0 s12  }
0x10: {  	s10 =	sadd.s32 $0x1, s10;
	s12 =	smov.u32 s11;
	s11 =	smov.u32 s13  }
.LBB2_1:
0x11: {  	p0 =	sne.s32 s10, $0x0  }
.Ltmp2:
0x12: {  	_ = 	snop;
	(pc) =	sbr.rel @!p0 .LBB2_2-.Ltmp2, $1  }
0x13: {  	_ =	sdelay $0x3  }
0x14: {  	s13 =	sand.u32 $0x1, s10  }
0x15: {  	p0 =	seq.s32 s13, $0x0  }
.Ltmp3:
0x16: {  	_ = 	snop;
	(pc) =	sbr.rel @p0 .LBB2_9-.Ltmp3, $1  }
0x17: {  	_ =	sdelay $0x3  }
0x18: {  	_ =	swait.ge [sflag:s5], $0x100  }
0x19: {  	[sflag:s5] =	ssyncset.done $0x0  }
0x1a: {  	s13 =	simm.s32 $0x0;
	[sflag:s5] =	ssyncadd.s32 $0xFFFFFF00  }
0x1b: {  	v0 =	vld.msk [tilespmem:s13+$0x100 ss:$0x1], $0xffff;
	_ =	sdelay $0x4  }
0x1c: {  	vm2 =	vgt.s32 v0, $0x0  }
0x1d: {  	v0 =	vnsel vm2, $0x0, v0  }
0x1e: {  	v0 =	vmin.u32 v0, $0x1FFF  }
0x1f: {  	v0 =	vshll.u32 v0, $0x4;
	_ =	sdelay $0x3  }
0x20: {  	s13 =	simm.s32 $0x8200  }
0x21: {  	[tilespmem:s13], [sflag:$0x1] =	stream.indirect_vreg.gather [hbm:s2], $0x80, v0, vm0, $0x38;
	[tilespmem:$0x10200] =	vst v63  }
0x22: {  	s14 =	simm.s32 $0x8600;
	s31 =	simm.s32 $0x10  }
0x23: {  	[tilespmem:s14], [sflag:$0x1] =	stream.indirect_vreg.gather [hbm:s2], $0x80, v0, vm1, $0x38;
	[tilespmem:$0x10200] =	vst v63  }
0x24: {  	s14 =	simm.s32 $0x80;
	v0 =	vld.msk [tilespmem:s31+$0x100 ss:$0x1], $0xffff  }
.LBB2_5:
0x25: {  	p0 =	sne.s32 s14, $0x3C0;
	_ =	sdelay $0x4  }
0x26: {  	vm2 =	vgt.s32 v0, $0x0  }
0x27: {  	v0 =	vnsel vm2, $0x0, v0  }
0x28: {  	v0 =	vmin.u32 v0, $0x1FFF  }
0x29: {  	v0 =	vshll.u32 v0, $0x4;
	_ =	sdelay $0x3  }
.Ltmp4:
0x2a: {  	s13 =	sadd.s32 $0x800, s13;
	(pc) =	sbr.rel @p0 .LBB2_5-.Ltmp4, $4  }
0x2b: {  	[tilespmem:s13], [sflag:$0x1] =	stream.indirect_vreg.gather [hbm:s2], $0x80, v0, vm0, $0x38;
	[tilespmem:$0x10200] =	vst v63  }
0x2c: {  	s15 =	sshra.s32 s14, $0x2;
	s16 =	sadd.s32 $0x400, s13  }
0x2d: {  	[tilespmem:s16], [sflag:$0x1] =	stream.indirect_vreg.gather [hbm:s2], $0x80, v0, vm1, $0x38;
	[tilespmem:$0x10200] =	vst v63  }
0x2e: {  	s14 =	sadd.s32 $0x40, s14;
	v0 =	vld.msk [tilespmem:s15+$0x100 ss:$0x1], $0xffff  }
0x2f: {  	_ =	sdelay $0x3  }
0x30: {  	vm2 =	vgt.s32 v0, $0x0  }
0x31: {  	v0 =	vnsel vm2, $0x0, v0  }
0x32: {  	v0 =	vmin.u32 v0, $0x1FFF  }
0x33: {  	v0 =	vshll.u32 v0, $0x4;
	_ =	sdelay $0x3  }
0x34: {  	s13 =	sadd.s32 $0x800, s13  }
0x35: {  	[tilespmem:s13], [sflag:$0x1] =	stream.indirect_vreg.gather [hbm:s2], $0x80, v0, vm0, $0x38;
	[tilespmem:$0x10200] =	vst v63  }
0x36: {  	s13 =	sadd.s32 $0x400, s13  }
0x37: {  	[tilespmem:s13], [sflag:$0x1] =	stream.indirect_vreg.gather [hbm:s2], $0x80, v0, vm1, $0x38;
	[tilespmem:$0x10200] =	vst v63  }
0x38: {  	s12 =	sshll.u32 s12, $0x4;
	s14 =	simm.s32 $0x80;
	_ =	swait.ge [sflag:s4], $0x8000  }
0x39: {  	s15 =	simm.s32 $0x8600;
	s12 =	sadd.s32 s12, s7;
	[sflag:s4] =	ssyncset.done $0x0  }
0x3a: {  	s16 =	sadd.s32 $0x0, s12;
	s13 =	simm.s32 $0x8200;
	[sflag:s4] =	ssyncadd.s32 $0xFFFF8000  }
.LBB2_7:
0x3b: {  	[hbm:s16] =	stream.linear.scatter [tilespmem:s13], [sflag:$0x3], $0x400, $0x38;
	[tilespmem:$0x10200] =	vst v63  }
0x3c: {  	s16 =	smov.u32 s14;
	s13 =	smov.u32 s15;
	p0 =	sne.s32 s14, $0xF80  }
.Ltmp5:
0x3d: {  	s14 =	sadd.s32 $0x80, s14;
	(pc) =	sbr.rel @p0 .LBB2_7-.Ltmp5, $2  }
0x3e: {  	_ =	sdelay $0x2  }
0x3f: {  	s15 =	sadd.s32 $0x400, s15;
	s16 =	sadd.s32 s16, s12  }
.Ltmp6:
0x40: {  	(pc) =	sbr.rel .LBB2_9-.Ltmp6, $2  }
0x41: {  	_ =	sdelay $0x2  }
0x42: {  	[hbm:s16] =	stream.linear.scatter [tilespmem:s13], [sflag:$0x3], $0x400, $0x38;
	[tilespmem:$0x10200] =	vst v63  }
.LBB2_2:
.Ltmp7:
0x43: {  	(pc) =	sbr.rel .LBB2_10-.Ltmp7, $4  }
0x44: {  	_ = 	snop  }
0x45: {  	s12 =	sshrl.u32 s11, $0x3  }
0x46: {  	s13 =	sand.u32 $0x7, s11;
	s12 =	sadd.s32 s3, s12  }
0x47: {  	[tilespmem:s9], [sflag:$0x2] =	stream.linear.gather [hbm4b:s12+s13], $0x100, $0x38;
	[tilespmem:$0x10200] =	vst v63  }
.LBB2_11:
0x48: {  	s2 =	simm.s32 $0x3  }
0x49: {  	_ =	swait.ge [sflag:s2], $0x8000  }
0x4a: {  	[sflag:s2] =	ssyncset.done $0x0  }
0x4b: {  	[sflag:s2] =	ssyncadd.s32 $0xFFFF8000  }
0x4c: {  	_ =	sfence.sel $0x180000  }
0x4d: {  	s3 =	simm.s32 $0x2;
	[bflag:$0x0] =	sbarrier.arrive $0xFFFF  }
0x4e: {  	[sflag:s3] =	ssyncpa.u1 $0x1  }
0x4f: {  	s31 =	simm.s32 $0x1;
	[sflag:s2] =	ssyncpa.u1 $0x1  }
0x50: {  	[sflag:s31] =	ssyncpa.u1 $0x1  }
0x51: {  	p0 =	sne.s32 s1, $0x0;
	_ =	strace $0x90000047  }
0x52: {  	s0 =	sadd.s32 @!p0 $0x100000, s0;
	[bflag:$0x2] =	sbarrier.arrive $0xFFFF  }
0x53: {  	[sflag:s0] =	ssyncadd.tile.s32 @!p0 $0x1;
	_ =	shalt  }
.Lfunc_end2:
_tile_overlayer_lowered:
.L_overlay_start_2:
0x54: {  	(tag) =	ssettag $0x2  }
0x55: {  	s0 =	rddreg [dreg:$0x0];
	s2 =	stileid.u32  }
0x56: {  	s1 =	rddreg [dreg:$0x1];
	p0 =	sne.s32 s2, $0x0  }
0x57: {  	s3 =	rddreg [dreg:$0x2];
	[bflag:$0x3] =	sbarrier.arrive $0xFFFF;
	s2 =	simm.s32 @!p0 $0x1C01  }
0x58: {  	[timem:s3], [sflag:s2] =	dma.local @!p0 [hbm:s0], s1  }
0x59: {  	s0 =	simm.s32 @!p0 $0x1  }
0x5a: {  	_ =	swait.ge @!p0 [sflag:s0], s1  }
0x5b: {  	s1 =	ssub.s32 @!p0 $0x0, s1;
	[sflag:s0] =	ssyncset.done @!p0 $0x0  }
0x5c: {  	[sflag:s0] =	ssyncadd.s32 @!p0 s1  }
0x5d: {  	[bflag:$0x3] =	sbarrier.arrive $0xFFFF  }
0x5e: {  	_ =	shalt  }

// kernel: kernel.4.cloned.1.call-start
scs
__scs_entry_jumppad:
0x0: {  	(pc) =	sbr.rel $0x88, $3  }
0x1: {  	(tag) =	ssettag $0x0;
	lr =	simm.s32 $0x1  }
0x2: {  	[smem:$0x3F9C] =	sst lr;
	_ =	strace $0xD0000000  }
0x3: {  	_ = 	snop  }
0x4: {  	_ = 	snop  }
0x5: {  	_ = 	snop  }
0x6: {  	_ = 	snop  }
0x7: {  	_ = 	snop  }
__scs_overlays_trampoline_lowered:
0x8: {  	[smem:$0x3FAB] =	sst s0  }
0x9: {  	[smem:$0x3FAC] =	sst s1  }
0xa: {  	[smem:$0x3FAD] =	sst s2  }
0xb: {  	[smem:$0x3FAE] =	sst s3  }
0xc: {  	[smem:$0x3FAF] =	sst s4  }
0xd: {  	[smem:$0x3FB0] =	sst s5  }
0xe: {  	[smem:$0x3FB1] =	sst s6  }
0xf: {  	[smem:$0x3FB2] =	sst s7  }
0x10: {  	[smem:$0x3FB3] =	sst s8  }
0x11: {  	[smem:$0x3FB4] =	sst s9;
	s0 =	simm.s32 @!p0 $0x0  }
0x12: {  	s1 =	sld [smem:$0x3F9A];
	s0 =	simm.s32 @p0 $0x1  }
0x13: {  	[smem:$0x3FB5] =	sst s0;
	s0 =	simm.s32 @!p1 $0x0  }
0x14: {  	s2 =	sld [smem:$0x3F99];
	s0 =	simm.s32 @p1 $0x1  }
0x15: {  	[smem:$0x3FB6] =	sst s0;
	s0 =	simm.s32 @!p2 $0x0  }
0x16: {  	s3 =	sld [smem:$0x3FDB];
	s0 =	simm.s32 @p2 $0x1  }
0x17: {  	s4 =	simm.s32 $0x1BF5;
	[smem:$0x3FB8] =	sst s0  }
0x18: {  	s0 =	sld [smem:$0x3F9B];
	_ =	swait.ge [sflag:s4], $0x0  }
0x19: {  	s7 =	sld [smem:$0x3F9C]  }
0x1a: {  	s8 =	sadd.s32 $0xFFFFE003, lr  }
0x1b: {  	s9 =	sadd.s32 $0xFFFFFEF7, lr;
	s5 =	simm.s32 $0xFFFFFFFF;
	p2 =	slt.u32 s8, $0xFFFFF086  }
0x1c: {  	p1 =	slt.u32 s9, $0xF7A;
	s5 =	simm.s32 @!p2 $0x0  }
0x1d: {  	s5 =	simm.s32 @p1 $0x1;
	p0 =	seq.s32 s7, s2  }
0x1e: {  	s7 =	smul.u32 @!p0 $0xF7A, s2;
	p2 =	seq.s32 @!p0 s5, $0x0  }
0x1f: {  	s9 =	smul.u32 $0xF7A, s1;
	s8 =	simm.s32 @!p0 $0x1BF5;
	p2 =	por !p2, p0  }
0x20: {  	[sflag:s8] =	ssyncset.s32 @!p0 $0xFFFFF086;
	s6 =	sadd.s32 @!p0 s3, s7;
	s7 =	simm.s32 @!p0 $0x108  }
0x21: {  	s3 =	sadd.s32 s3, s9;
	s6 =	sadd.s32 @!p0 $0x88, s6;
	s7 =	simm.s32 @p2 $0x1082  }
0x22: {  	[simem:s7], [sflag:s8] =	dma.local @!p0 [hbm:s6], $0xF7A  }
0x23: {  	s9 =	sor.u32 $0xD0000000, s2;
	s6 =	simm.s32 $0x108;
	_ =	swait.ge @!p0 [sflag:s8], $0x0  }
0x24: {  	s3 =	sadd.s32 $0x88, s3;
	s6 =	simm.s32 @!p1 $0x1082;
	[sflag:s4] =	ssyncset.s32 $0xFFFFF086  }
0x25: {  	[simem:s6], [sflag:s4] =	dma.local [hbm:s3], $0xF7A  }
0x26: {  	[smem:$0x3F9C] =	sst s1;
	(tag) =	ssettag s2;
	_ =	strace s9  }
0x27: {  	s1 =	sld [smem:$0x3FAC]  }
0x28: {  	s2 =	sld [smem:$0x3FAD]  }
0x29: {  	s4 =	sld [smem:$0x3FAF]  }
0x2a: {  	p0 =	seq.s32 s5, $0x0;
	s5 =	sld [smem:$0x3FB0]  }
0x2b: {  	s6 =	sld [smem:$0x3FB1]  }
0x2c: {  	s7 =	sld [smem:$0x3FB2]  }
0x2d: {  	s3 =	simm.s32 $0x108;
	s8 =	sld [smem:$0x3FB3]  }
0x2e: {  	s3 =	simm.s32 @!p0 $0x1082;
	s9 =	sld [smem:$0x3FB4]  }
0x2f: {  	lr =	sadd.s32 s0, s3;
	s0 =	sld [smem:$0x3FAB]  }
0x30: {  	s3 =	sld [smem:$0x3FAE]  }
0x31: {  	[smem:$0x3FB7] =	sst s10  }
0x32: {  	s10 =	sld [smem:$0x3FB5];
	_ =	sdelay $0x3  }
0x33: {  	p0 =	seq.s32 s10, $0x1;
	s10 =	sld [smem:$0x3FB7];
	_ =	sdelay $0x3  }
0x34: {  	[smem:$0x3FB7] =	sst s10  }
0x35: {  	s10 =	sld [smem:$0x3FB6];
	_ =	sdelay $0x3  }
0x36: {  	p1 =	seq.s32 s10, $0x1;
	s10 =	sld [smem:$0x3FB7];
	_ =	sdelay $0x3  }
0x37: {  	[smem:$0x3FB7] =	sst s10  }
0x38: {  	s10 =	sld [smem:$0x3FB8]  }
0x39: {  	_ = 	snop;
	(pc) =	sbr.ind lr, $3  }
0x3a: {  	_ = 	snop  }
0x3b: {  	_ = 	snop  }
0x3c: {  	p2 =	seq.s32 s10, $0x1;
	s10 =	sld [smem:$0x3FB7]  }
0x3d: {  	_ =	shalt  }
0x3e: {  	_ =	shalt  }
0x3f: {  	_ =	shalt  }
0x40: {  	_ =	shalt  }
0x41: {  	_ =	shalt  }
0x42: {  	_ =	shalt  }
0x43: {  	_ =	shalt  }
0x44: {  	_ =	shalt  }
0x45: {  	_ =	shalt  }
0x46: {  	_ =	shalt  }
0x47: {  	_ =	shalt  }
0x48: {  	_ =	shalt  }
0x49: {  	_ =	shalt  }
0x4a: {  	_ =	shalt  }
0x4b: {  	_ =	shalt  }
0x4c: {  	_ =	shalt  }
0x4d: {  	_ =	shalt  }
0x4e: {  	_ =	shalt  }
0x4f: {  	_ =	shalt  }
0x50: {  	_ =	shalt  }
0x51: {  	_ =	shalt  }
0x52: {  	_ =	shalt  }
0x53: {  	_ =	shalt  }
0x54: {  	_ =	shalt  }
0x55: {  	_ =	shalt  }
0x56: {  	_ =	shalt  }
0x57: {  	_ =	shalt  }
0x58: {  	_ =	shalt  }
0x59: {  	_ =	shalt  }
0x5a: {  	_ =	shalt  }
0x5b: {  	_ =	shalt  }
0x5c: {  	_ =	shalt  }
0x5d: {  	_ =	shalt  }
0x5e: {  	_ =	shalt  }
0x5f: {  	_ =	shalt  }
0x60: {  	_ =	shalt  }
0x61: {  	_ =	shalt  }
0x62: {  	_ =	shalt  }
0x63: {  	_ =	shalt  }
0x64: {  	_ =	shalt  }
0x65: {  	_ =	shalt  }
0x66: {  	_ =	shalt  }
0x67: {  	_ =	shalt  }
0x68: {  	_ =	shalt  }
0x69: {  	_ =	shalt  }
0x6a: {  	_ =	shalt  }
0x6b: {  	_ =	shalt  }
0x6c: {  	_ =	shalt  }
0x6d: {  	_ =	shalt  }
0x6e: {  	_ =	shalt  }
0x6f: {  	_ =	shalt  }
0x70: {  	_ =	shalt  }
0x71: {  	_ =	shalt  }
0x72: {  	_ =	shalt  }
0x73: {  	_ =	shalt  }
0x74: {  	_ =	shalt  }
0x75: {  	_ =	shalt  }
0x76: {  	_ =	shalt  }
0x77: {  	_ =	shalt  }
0x78: {  	_ =	shalt  }
0x79: {  	_ =	shalt  }
0x7a: {  	_ =	shalt  }
0x7b: {  	_ =	shalt  }
0x7c: {  	_ =	shalt  }
0x7d: {  	_ =	shalt  }
0x7e: {  	_ =	shalt  }
0x7f: {  	_ =	shalt  }
0x80: {  	_ =	shalt  }
0x81: {  	_ =	shalt  }
0x82: {  	_ =	shalt  }
0x83: {  	_ =	shalt  }
0x84: {  	_ =	shalt  }
0x85: {  	_ =	shalt  }
0x86: {  	_ =	shalt  }
0x87: {  	_ =	shalt  }
.Lfunc_end0:
.L_simem_size_0:
called_computation.3_lowered:
.L_overlay_start_0:
0x88: {  	s2 =	sld [smem:$0x3FD9]  }
0x89: {  	s3 =	sld [smem:$0x3FFE];
	_ =	sdelay $0x1  }
0x8a: {  	s1 =	srdreg.scid  }
0x8b: {  	s0 =	sand.u32 $0x1, s1  }
0x8c: {  	s14 =	sshll.u32 s0, $0xA;
	s2 =	sadd.s32 s3, s2  }
0x8d: {  	s2 =	sadd.s32 s2, s14  }
0x8e: {  	[smem:$0x3FC3] =	sst s2  }
0x8f: {  	_ = 	snop  }
0x90: {  	s2 =	sld [smem:$0x3FD0];
	_ =	sdelay $0x2  }
0x91: {  	s15 =	simm.s32 $0xA;
	s4 =	simm.s32 $0x10  }
0x92: {  	[smem:s4], [sflag:s15] =	dma.local [hbm:s2], $0x1  }
0x93: {  	_ =	swait.eq [sflag:s15], $0x1  }
0x94: {  	[sflag:s15] =	ssyncset.done $0x0  }
0x95: {  	[sflag:s15] =	ssyncadd.s32 $0xFFFFFFFF  }
0x96: {  	s16 =	sld [smem:$0x11];
	(tm) =	ssettm $0x1  }
0x97: {  	s17 =	sld [smem:$0x3FFB];
	_ =	sdelay $0x3  }
0x98: {  	_ =	strace s17  }
0x99: {  	s3 =	sld [smem:$0x3FFC];
	_ =	sdelay $0x3  }
0x9a: {  	_ =	strace s3  }
0x9b: {  	s3 =	sld [smem:$0x3FFD];
	_ =	sdelay $0x3  }
0x9c: {  	_ =	strace s3  }
0x9d: {  	_ =	strace $0x8FFFFFFF  }
0x9e: {  	s18 =	sld [smem:$0x3FDB];
	_ =	sdelay $0x1  }
0x9f: {  	s19 =	simm.s32 $_scs_section_size  }
0xa0: {  	s5 =	simm.s32 $_size__tile_overlayer_lowered;
	s6 =	simm.s32 $_tile_overlayer_lowered  }
0xa1: {  	s22 =	simm.s32 $0x1BFF;
	s21 =	sshll.u32 s6, $0x1;
	s3 =	sadd.s32 s19, s18  }
0xa2: {  	s7 =	simm.s32 $0x0;
	s20 =	sshll.u32 s5, $0x1;
	s5 =	sadd.s32 s21, s3  }
0xa3: {  	[timem:s7], [sflag:s22] =	dma.local [hbm:s5], s20  }
0xa4: {  	_ =	swait.ge [sflag:s22], s20  }
0xa5: {  	s4 =	ssub.s32 $0x0, s20;
	[sflag:s22] =	ssyncset.done $0x0  }
0xa6: {  	[sflag:s22] =	ssyncadd.s32 s4;
	_ =	sdelay $0x1  }
0xa7: {  	s23 =	simm.s32 $0x1B8B  }
0xa8: {  	_ =	swait.ge [sflag:s23], $0x1  }
0xa9: {  	[sflag:s23] =	ssyncset.done $0x0  }
0xaa: {  	s25 =	simm.s32 $0x1B8E;
	s24 =	sld [smem:$0x3FFE];
	[sflag:s23] =	ssyncadd.s32 $0xFFFFFFFF  }
0xab: {  	s26 =	simm.s32 $execute0_lowered;
	[smem:$0x3FD2] =	sst s25  }
0xac: {  	s5 =	sshll.u32 s26, $0x1;
	_ =	strace $0x8000004F;
	[dreg:$0x1] =	wrdreg $0xFFFFFFFF  }
0xad: {  	s28 =	simm.s32 $_size_execute0_lowered;
	s3 =	sadd.s32 s3, s5;
	[dreg:$0x0] =	wrdreg $0x0  }
0xae: {  	s5 =	sshll.u32 s28, $0x1;
	[dreg:$0x2] =	wrdreg s3  }
0xaf: {  	[dreg:$0x3] =	wrdreg s5  }
0xb0: {  	[dreg:$0x4] =	wrdreg $0xC0  }
0xb1: {  	_ =	task [dreg:s7], $0x5FFFF  }
0xb2: {  	[dreg:$0x1] =	wrdreg $0xFFFFFFFF  }
0xb3: {  	[dreg:$0x0] =	wrdreg $0x60  }
0xb4: {  	[dreg:$0x2] =	wrdreg s16  }
0xb5: {  	[dreg:$0x3] =	wrdreg s24  }
0xb6: {  	[dreg:$0x4] =	wrdreg $0x9  }
0xb7: {  	_ =	task.clear_ibuf [dreg:s7], $0x5FFFF;
	_ =	strace $0x9000004F  }
0xb8: {  	s29 =	simm.s32 $0x9;
	_ =	strace $0x80000051  }
0xb9: {  	_ =	swait.ge [sflag:s29], $0x1  }
0xba: {  	[sflag:s29] =	ssyncadd.s32 $0xFFFFFFFF  }
0xbb: {  	_ =	strace $0x90000051  }
0xbc: {  	_ =	sfence  }
0xbd: {  	s30 =	sld [smem:$0x0];
	_ =	sdelay $0x2  }
0xbe: {  	s31 =	sshll.u32 s1, $0xD;
	s1 =	sshrl.u32 s1, $0x2  }
0xbf: {  	s3 =	sand.u32 $0x4000, s31;
	s1 =	sadd.s32 s1, s30  }
0xc0: {  	s0 =	sor.u32 s3, s0;
	s1 =	sshll.u32 s1, $0x11  }
0xc1: {  	s0 =	sor.u32 s1, s0  }
0xc2: {  	s0 =	sadd.s32 $0x8F2B, s0  }
0xc3: {  	[sflag:s0] =	ssyncadd.remote.s32 $0x1  }
0xc4: {  	_ =	sfence.sel $0xFFFF  }
0xc5: {  	[dreg:$0x0] =	wrdreg $0xFFFFFFFF;
	(pc) =	sbr.abs _section_cstart, $3  }
0xc6: {  	[dreg:$0x1] =	wrdreg $0xFFFFFFFF  }
0xc7: {  	_ =	task.clear_ibuf [dreg:s7], $0x2FFFF;
	_ =	strace $0x9FFFFFFF  }
0xc8: {  	(tm) =	ssettm $0x7FFFFFFF  }
0xc9: {  	_ =	shalt  }
tec
execute0_lowered:
.L_overlay_start_1:
0x0: {  	(tag) =	ssettag $0x1  }
0x1: {  	s1 =	srdreg.scid  }
0x2: {  	s17 =	rddreg [dreg:$0x0];
	s0 =	stileid.u32;
	s19 =	sand.u32 $0x1, s1  }
0x3: {  	s11 =	rddreg [dreg:$0x1];
	s3 =	sshll.u32 s0, $0x9;
	s4 =	sshll.u32 s19, $0x8  }
0x4: {  	s2 =	simm.s32 $0x0;
	s1 =	rddreg [dreg:$0x2];
	s18 =	sor.u32 s4, s3  }
0x5: {  	[smem:$0x7FF] =	sst s2;
	s3 =	sshrl.u32 s18, $0x3  }
0x6: {  	_ =	strace $0x80000050;
	s4 =	simm.s32 $0x5;
	s3 =	sadd.s32 s17, s3  }
0x7: {  	[tilespmem:s2], [sflag:$0x5] =	stream.linear.gather [hbm4b:s3+s2], $0x100, $0x38;
	[tilespmem:$0x10200] =	vst v63  }
0x8: {  	s6 =	simm.s32 $0x100;
	_ =	swait.ge [sflag:s4], $0x100  }
0x9: {  	s7 =	simm.s32 $0x200;
	s13 =	sor.u32 $0x2000, s18;
	[sflag:s4] =	ssyncset.done $0x0  }
0xa: {  	s5 =	sadd.s32 $0x60800, s11;
	s8 =	sshrl.u32 s13, $0x3;
	[sflag:s4] =	ssyncadd.s32 $0xFFFFFF00  }
0xb: {  	[tilespmem:s7], [sflag:$0x1] =	stream.indirect.gather [hbm4b:s5+s6], $0x80, s2, s6, $0xb8;
	[tilespmem:$0x10200] =	vst v63  }
0xc: {  	s8 =	sadd.s32 s17, s8  }
0xd: {  	[tilespmem:s6], [sflag:$0x5] =	stream.linear.gather [hbm4b:s8+s2], $0x100, $0x38;
	[tilespmem:$0x10200] =	vst v63  }
0xe: {  	_ =	swait.ge [sflag:s4], $0x100  }
0xf: {  	[sflag:s4] =	ssyncset.done $0x0  }
0x10: {  	s9 =	simm.s32 $0x8200;
	s10 =	simm.s32 $0x1;
	[sflag:s4] =	ssyncadd.s32 $0xFFFFFF00  }
0x11: {  	[tilespmem:s9], [sflag:$0x2] =	stream.indirect.gather [hbm4b:s5+s6], $0x80, s6, s6, $0xb8;
	[tilespmem:$0x10200] =	vst v63  }
0x12: {  	_ =	swait.ge [sflag:s10], $0x8000  }
0x13: {  	s20 =	sadd.s32 $0x80800, s11;
	s26 =	sshll.u32 s18, $0x4;
	[sflag:s10] =	ssyncset.done $0x0  }
0x14: {  	s12 =	simm.s32 $0x2;
	s11 =	sadd.s32 s20, s26;
	[sflag:s10] =	ssyncadd.s32 $0xFFFF8000  }
0x15: {  	[hbm4b:s11+s2] =	stream.linear.scatter [tilespmem:s7], [sflag:$0x3], $0x8000, $0x38;
	[tilespmem:$0x10200] =	vst v63  }
0x16: {  	_ =	swait.ge [sflag:s12], $0x8000  }
0x17: {  	s13 =	sshll.u32 s13, $0x4;
	[sflag:s12] =	ssyncset.done $0x0  }
0x18: {  	s14 =	simm.s32 $0x3;
	s13 =	sadd.s32 s20, s13;
	[sflag:s12] =	ssyncadd.s32 $0xFFFF8000  }
0x19: {  	[hbm4b:s13+s2] =	stream.linear.scatter [tilespmem:s9], [sflag:$0x4], $0x8000, $0x38;
	[tilespmem:$0x10200] =	vst v63  }
0x1a: {  	s21 =	sor.u32 $0x4000, s18;
	_ =	swait.ge [sflag:s14], $0x8000  }
0x1b: {  	s15 =	sshrl.u32 s21, $0x3;
	[sflag:s14] =	ssyncset.done $0x0  }
0x1c: {  	s15 =	sadd.s32 s17, s15;
	[sflag:s14] =	ssyncadd.s32 $0xFFFF8000  }
0x1d: {  	[tilespmem:s2], [sflag:$0x5] =	stream.linear.gather [hbm4b:s15+s2], $0x100, $0x38;
	[tilespmem:$0x10200] =	vst v63  }
0x1e: {  	_ =	swait.ge [sflag:s4], $0x100  }
0x1f: {  	[sflag:s4] =	ssyncset.done $0x0  }
0x20: {  	s16 =	simm.s32 $0x4;
	[sflag:s4] =	ssyncadd.s32 $0xFFFFFF00  }
0x21: {  	[tilespmem:s7], [sflag:$0x1] =	stream.indirect.gather [hbm4b:s5+s6], $0x80, s2, s6, $0xb8;
	[tilespmem:$0x10200] =	vst v63  }
0x22: {  	s22 =	sor.u32 $0x6000, s18;
	_ =	swait.ge [sflag:s16], $0x8000  }
0x23: {  	s18 =	sshrl.u32 s22, $0x3;
	[sflag:s16] =	ssyncset.done $0x0  }
0x24: {  	s17 =	sadd.s32 s17, s18;
	[sflag:s16] =	ssyncadd.s32 $0xFFFF8000  }
0x25: {  	[tilespmem:s6], [sflag:$0x5] =	stream.linear.gather [hbm4b:s17+s2], $0x100, $0x38;
	[tilespmem:$0x10200] =	vst v63  }
0x26: {  	_ =	swait.ge [sflag:s4], $0x100  }
0x27: {  	[sflag:s4] =	ssyncset.done $0x0  }
0x28: {  	[sflag:s4] =	ssyncadd.s32 $0xFFFFFF00  }
0x29: {  	[tilespmem:s9], [sflag:$0x2] =	stream.indirect.gather [hbm4b:s5+s6], $0x80, s6, s6, $0xb8;
	[tilespmem:$0x10200] =	vst v63  }
0x2a: {  	s30 =	ssub.s32 $0x2, s19;
	_ =	swait.ge [sflag:s10], $0x8000  }
0x2b: {  	s31 =	sshrl.u32 s30, $0x1;
	s28 =	sshll.u32 s21, $0x4;
	[sflag:s10] =	ssyncset.done $0x0  }
0x2c: {  	s29 =	sshll.u32 s22, $0x4;
	s18 =	sadd.s32 s20, s28;
	[sflag:s10] =	ssyncadd.s32 $0xFFFF8000  }
0x2d: {  	[hbm4b:s18+s2] =	stream.linear.scatter [tilespmem:s7], [sflag:$0x3], $0x8000, $0x38;
	[tilespmem:$0x10200] =	vst v63  }
0x2e: {  	s19 =	sadd.s32 s20, s29;
	s20 =	ssub.s32 s30, s31;
	_ =	swait.ge [sflag:s12], $0x8000  }
0x2f: {  	s20 =	smax.u32 s20, $0x1;
	[sflag:s12] =	ssyncset.done $0x0  }
0x30: {  	p0 =	sne.s32 s20, $0x1;
	[sflag:s12] =	ssyncadd.s32 $0xFFFF8000  }
0x31: {  	[hbm4b:s19+s2] =	stream.linear.scatter [tilespmem:s9], [sflag:$0x4], $0x8000, $0x38;
	[tilespmem:$0x10200] =	vst v63  }
.Ltmp0:
0x32: {  	_ =	swait.ge [sflag:s14], $0x8000;
	(pc) =	sbr.rel @!p0 .LBB2_2-.Ltmp0, $4  }
0x33: {  	[sflag:s14] =	ssyncset.done $0x0  }
0x34: {  	[sflag:s14] =	ssyncadd.s32 $0xFFFF8000  }
0x35: {  	_ =	swait.ge [sflag:s16], $0x8000  }
0x36: {  	s20 =	sadd.s32 $0xFFFFFFFF, s20;
	[sflag:s16] =	ssyncset.done $0x0  }
.LBB2_1:
0x37: {  	p0 =	sne.s32 s20, $0x1;
	s20 =	sadd.s32 $0xFFFFFFFF, s20;
	[sflag:s16] =	ssyncadd.s32 $0xFFFF8000  }
0x38: {  	[tilespmem:s2], [sflag:$0x5] =	stream.linear.gather [hbm4b:s3+s2], $0x100, $0x38;
	[tilespmem:$0x10200] =	vst v63  }
0x39: {  	_ =	swait.ge [sflag:s4], $0x100  }
0x3a: {  	[sflag:s4] =	ssyncset.done $0x0  }
0x3b: {  	[sflag:s4] =	ssyncadd.s32 $0xFFFFFF00  }
0x3c: {  	[tilespmem:s7], [sflag:$0x1] =	stream.indirect.gather [hbm4b:s5+s6], $0x80, s2, s6, $0xb8;
	[tilespmem:$0x10200] =	vst v63  }
0x3d: {  	_ = 	snop  }
0x3e: {  	[tilespmem:s6], [sflag:$0x5] =	stream.linear.gather [hbm4b:s8+s2], $0x100, $0x38;
	[tilespmem:$0x10200] =	vst v63  }
0x3f: {  	_ =	swait.ge [sflag:s4], $0x100  }
0x40: {  	[sflag:s4] =	ssyncset.done $0x0  }
0x41: {  	[sflag:s4] =	ssyncadd.s32 $0xFFFFFF00  }
0x42: {  	[tilespmem:s9], [sflag:$0x2] =	stream.indirect.gather [hbm4b:s5+s6], $0x80, s6, s6, $0xb8;
	[tilespmem:$0x10200] =	vst v63  }
0x43: {  	_ =	swait.ge [sflag:s10], $0x8000  }
0x44: {  	[sflag:s10] =	ssyncset.done $0x0  }
0x45: {  	[sflag:s10] =	ssyncadd.s32 $0xFFFF8000  }
0x46: {  	[hbm4b:s11+s2] =	stream.linear.scatter [tilespmem:s7], [sflag:$0x3], $0x8000, $0x38;
	[tilespmem:$0x10200] =	vst v63  }
0x47: {  	_ =	swait.ge [sflag:s12], $0x8000  }
0x48: {  	[sflag:s12] =	ssyncset.done $0x0  }
0x49: {  	[sflag:s12] =	ssyncadd.s32 $0xFFFF8000  }
0x4a: {  	[hbm4b:s13+s2] =	stream.linear.scatter [tilespmem:s9], [sflag:$0x4], $0x8000, $0x38;
	[tilespmem:$0x10200] =	vst v63  }
0x4b: {  	_ =	swait.ge [sflag:s14], $0x8000  }
0x4c: {  	[sflag:s14] =	ssyncset.done $0x0  }
0x4d: {  	[sflag:s14] =	ssyncadd.s32 $0xFFFF8000  }
0x4e: {  	[tilespmem:s2], [sflag:$0x5] =	stream.linear.gather [hbm4b:s15+s2], $0x100, $0x38;
	[tilespmem:$0x10200] =	vst v63  }
0x4f: {  	_ =	swait.ge [sflag:s4], $0x100  }
0x50: {  	[sflag:s4] =	ssyncset.done $0x0  }
0x51: {  	[sflag:s4] =	ssyncadd.s32 $0xFFFFFF00  }
0x52: {  	[tilespmem:s7], [sflag:$0x1] =	stream.indirect.gather [hbm4b:s5+s6], $0x80, s2, s6, $0xb8;
	[tilespmem:$0x10200] =	vst v63  }
0x53: {  	_ =	swait.ge [sflag:s16], $0x8000  }
0x54: {  	[sflag:s16] =	ssyncset.done $0x0  }
0x55: {  	[sflag:s16] =	ssyncadd.s32 $0xFFFF8000  }
0x56: {  	[tilespmem:s6], [sflag:$0x5] =	stream.linear.gather [hbm4b:s17+s2], $0x100, $0x38;
	[tilespmem:$0x10200] =	vst v63  }
0x57: {  	_ =	swait.ge [sflag:s4], $0x100  }
0x58: {  	[sflag:s4] =	ssyncset.done $0x0  }
0x59: {  	[sflag:s4] =	ssyncadd.s32 $0xFFFFFF00  }
0x5a: {  	[tilespmem:s9], [sflag:$0x2] =	stream.indirect.gather [hbm4b:s5+s6], $0x80, s6, s6, $0xb8;
	[tilespmem:$0x10200] =	vst v63  }
0x5b: {  	_ =	swait.ge [sflag:s10], $0x8000  }
0x5c: {  	[sflag:s10] =	ssyncset.done $0x0  }
0x5d: {  	[sflag:s10] =	ssyncadd.s32 $0xFFFF8000  }
0x5e: {  	[hbm4b:s18+s2] =	stream.linear.scatter [tilespmem:s7], [sflag:$0x3], $0x8000, $0x38;
	[tilespmem:$0x10200] =	vst v63  }
0x5f: {  	_ =	swait.ge [sflag:s12], $0x8000  }
0x60: {  	[sflag:s12] =	ssyncset.done $0x0  }
0x61: {  	[sflag:s12] =	ssyncadd.s32 $0xFFFF8000  }
0x62: {  	[hbm4b:s19+s2] =	stream.linear.scatter [tilespmem:s9], [sflag:$0x4], $0x8000, $0x38;
	[tilespmem:$0x10200] =	vst v63  }
.Ltmp1:
0x63: {  	_ =	swait.ge [sflag:s14], $0x8000;
	(pc) =	sbr.rel @p0 .LBB2_1-.Ltmp1, $4  }
0x64: {  	[sflag:s14] =	ssyncset.done $0x0  }
0x65: {  	[sflag:s14] =	ssyncadd.s32 $0xFFFF8000  }
0x66: {  	_ =	swait.ge [sflag:s16], $0x8000  }
0x67: {  	[sflag:s16] =	ssyncset.done $0x0  }
.LBB2_2:
0x68: {  	[sflag:s16] =	ssyncadd.s32 $0xFFFF8000  }
0x69: {  	_ =	sfence.sel $0x180000  }
0x6a: {  	[bflag:$0x0] =	sbarrier.arrive $0xFFFF  }
0x6b: {  	p0 =	sne.s32 s0, $0x0;
	_ =	strace $0x90000050  }
0x6c: {  	s0 =	sadd.s32 @!p0 $0x100000, s1;
	[bflag:$0x2] =	sbarrier.arrive $0xFFFF  }
0x6d: {  	[sflag:s0] =	ssyncadd.tile.s32 @!p0 $0x1;
	_ =	shalt  }
.Lfunc_end2:
_tile_overlayer_lowered:
.L_overlay_start_2:
0x6e: {  	(tag) =	ssettag $0x2  }
0x6f: {  	s0 =	rddreg [dreg:$0x0];
	s2 =	stileid.u32  }
0x70: {  	s1 =	rddreg [dreg:$0x1];
	p0 =	sne.s32 s2, $0x0  }
0x71: {  	s3 =	rddreg [dreg:$0x2];
	[bflag:$0x3] =	sbarrier.arrive $0xFFFF;
	s2 =	simm.s32 @!p0 $0x1C05  }
0x72: {  	[timem:s3], [sflag:s2] =	dma.local @!p0 [hbm:s0], s1  }
0x73: {  	s0 =	simm.s32 @!p0 $0x5  }
0x74: {  	_ =	swait.ge @!p0 [sflag:s0], s1  }
0x75: {  	s1 =	ssub.s32 @!p0 $0x0, s1;
	[sflag:s0] =	ssyncset.done @!p0 $0x0  }
0x76: {  	[sflag:s0] =	ssyncadd.s32 @!p0 s1  }
0x77: {  	[bflag:$0x3] =	sbarrier.arrive $0xFFFF  }
0x78: {  	_ =	shalt  }

</sc_bundles>
